<compile_context>
chip_gen: v7x
topology: tpu7x:2x2x1
jax: 0.10.2.dev20260603
libtpu: 0.0.44.dev20260713+nightly
codegen_flags: <defaults>
</compile_context>

<pallas_src>
import functools

import jax
import jax.numpy as jnp
from jax import lax
from jax.experimental import pallas as pl
from jax.experimental.pallas import tpu as pltpu
from jax.experimental.pallas import tpu_sc as plsc

NC, NS = 2, 16
NW = NC * NS
F32 = jnp.float32
BF16 = jnp.bfloat16


def _silu(v):
    return v * jax.nn.sigmoid(v)


def _make_gather(N, E, tdim, chunk):
    epw = E // NW
    nch = epw // chunk
    mesh = plsc.VectorSubcoreMesh(core_axis_name="c", subcore_axis_name="s", num_cores=NC, num_subcores=NS)

    @functools.partial(
        pl.kernel,
        out_type=(
            jax.ShapeDtypeStruct((E, tdim), jnp.int32),
            jax.ShapeDtypeStruct((E, tdim), jnp.int32),
        ),
        mesh=mesh,
        scratch_types=[
            pltpu.VMEM((chunk,), jnp.int32),
            pltpu.VMEM((chunk,), jnp.int32),
            pltpu.VMEM((chunk, tdim), jnp.int32),
            pltpu.VMEM((chunk, tdim), jnp.int32),
            pltpu.SemaphoreType.DMA,
        ],
    )
    def gather_k(tab, idx0_h, idx1_h, g0_o, g1_o,
                 idx0_v, idx1_v, g0_v, g1_v, sem):
        wid = lax.axis_index("s") * NC + lax.axis_index("c")
        base = wid * epw

        def body(j, carry):
            off = base + j * chunk
            pltpu.sync_copy(idx0_h.at[pl.ds(off, chunk)], idx0_v)
            pltpu.sync_copy(idx1_h.at[pl.ds(off, chunk)], idx1_v)
            cp0 = pltpu.async_copy(tab.at[idx0_v], g0_v, sem)
            cp1 = pltpu.async_copy(tab.at[idx1_v], g1_v, sem)
            cp0.wait(); cp1.wait()
            pltpu.sync_copy(g0_v, g0_o.at[pl.ds(off, chunk)])
            pltpu.sync_copy(g1_v, g1_o.at[pl.ds(off, chunk)])
            return carry

        lax.fori_loop(0, nch, body, 0)

    return gather_k


def _make_scatter(N, E, vdim, chunk):
    epw = E // NW
    nch = epw // chunk
    mesh = plsc.VectorSubcoreMesh(core_axis_name="c", subcore_axis_name="s", num_cores=NC, num_subcores=NS)

    @functools.partial(
        pl.kernel,
        out_type=jax.ShapeDtypeStruct((NC, N, vdim), F32),
        mesh=mesh,
        scratch_types=[
            pltpu.VMEM((chunk,), jnp.int32),
            pltpu.VMEM((chunk, vdim), F32),
            pltpu.VMEM_SHARED((N, vdim), F32),
            pltpu.SemaphoreType.DMA,
        ],
    )
    def scatter_k(idx1_h, v_h, z_h, p_o, idx_v, v_v, acc, sem):
        cid = lax.axis_index("c")
        sid = lax.axis_index("s")
        wid = cid * NS + sid
        base = wid * epw

        @pl.when(sid == 0)
        def _init():
            pltpu.sync_copy(z_h, acc)

        plsc.subcore_barrier()

        def body(j, carry):
            off = base + j * chunk
            pltpu.sync_copy(idx1_h.at[pl.ds(off, chunk)], idx_v)
            pltpu.sync_copy(v_h.at[pl.ds(off, chunk)], v_v)
            pltpu.sync_copy(v_v, acc.at[idx_v], add=True)
            return carry

        lax.fori_loop(0, nch, body, 0)
        plsc.subcore_barrier()

        @pl.when(sid == 0)
        def _drain():
            pltpu.sync_copy(acc, p_o.at[cid])

    return scatter_k


def _unpack_feats(g):
    lo = lax.bitcast_convert_type(g << 16, F32)
    hi = lax.bitcast_convert_type(g & jnp.int32(-65536), F32)
    return jnp.concatenate([lo, hi], axis=1).astype(BF16)


def _edge_body(pdim, cdim, g0_r, g1_r, ea_r, wa_r, wb_r, wea_r, wd_r, be1_r,
               we2_r, be2_r, wc1_r, bc1_r, wc2_r, bc2_r, v_r):
    g0 = g0_r[...]
    g1 = g1_r[...]
    f0 = _unpack_feats(g0[:, :pdim])
    f1 = _unpack_feats(g1[:, :pdim])
    c0 = lax.bitcast_convert_type(g0[:, pdim:pdim + cdim], F32)
    c1 = lax.bitcast_convert_type(g1[:, pdim:pdim + cdim], F32)
    rel = c0 - c1
    rd = jnp.sum(rel * rel, axis=1, keepdims=True)
    ea = ea_r[...]
    eb = ea.shape[0]
    base = (jnp.dot(ea, wea_r[...], preferred_element_type=F32)
            + rd * wd_r[...] + be1_r[...])
    wa = wa_r[...]
    wb = wb_r[...]
    p0a = jnp.dot(f0, wa, preferred_element_type=F32)
    p0b = jnp.dot(f0, wb, preferred_element_type=F32)
    p1a = jnp.dot(f1, wa, preferred_element_type=F32)
    p1b = jnp.dot(f1, wb, preferred_element_type=F32)
    h1 = _silu(p0a + p1b + base)
    h2 = _silu(p1a + p0b + base)
    we2 = we2_r[...]
    m1 = _silu(jnp.dot(h1, we2, preferred_element_type=F32) + be2_r[...])
    m2 = _silu(jnp.dot(h2, we2, preferred_element_type=F32) + be2_r[...])
    t = _silu(jnp.dot(m1, wc1_r[...], preferred_element_type=F32) + bc1_r[...])
    wij = jnp.sum(t * wc2_r[...], axis=1, keepdims=True) + bc2_r[...]
    zpad = v_r.shape[1] - m2.shape[1] - rel.shape[1]
    v_r[...] = jnp.concatenate(
        [m2, wij * rel, jnp.zeros((eb, zpad), F32)], axis=1)


def _run_edge_mlp(G0, G1, EA, wa, wb, wea, wd, be1, we2, be2,
                  wc1, bc1, wc2r, bc2, pdim, cdim, eb):
    E, tdim = G0.shape
    mdim = we2.shape[1]
    vdim = 128
    grid = (E // eb,)

    def em(i):
        return (i, 0)

    def w0(i):
        return (0, 0)

    return pl.pallas_call(
        functools.partial(_edge_body, pdim, cdim),
        grid=grid,
        in_specs=[
            pl.BlockSpec((eb, tdim), em),
            pl.BlockSpec((eb, tdim), em),
            pl.BlockSpec((eb, EA.shape[1]), em),
            pl.BlockSpec(wa.shape, w0),
            pl.BlockSpec(wb.shape, w0),
            pl.BlockSpec(wea.shape, w0),
            pl.BlockSpec(wd.shape, w0),
            pl.BlockSpec(be1.shape, w0),
            pl.BlockSpec(we2.shape, w0),
            pl.BlockSpec(be2.shape, w0),
            pl.BlockSpec(wc1.shape, w0),
            pl.BlockSpec(bc1.shape, w0),
            pl.BlockSpec(wc2r.shape, w0),
            pl.BlockSpec(bc2.shape, w0),
        ],
        out_specs=pl.BlockSpec((eb, vdim), em),
        out_shape=jax.ShapeDtypeStruct((E, vdim), F32),
        compiler_params=pltpu.CompilerParams(
            dimension_semantics=("arbitrary",)),
    )(G0, G1, EA, wa, wb, wea, wd, be1, we2, be2, wc1, bc1, wc2r, bc2)


def _node_body(mdim, cdim, nsp, f_r, c_r, *rest):
    sp_rs = rest[:nsp]
    wn1f_r, wn1m_r, bn1_r, wn2_r, bn2_r, co_r, hid_r = rest[nsp:]
    f = f_r[...]
    s = sp_rs[0][...]
    for r in sp_rs[1:]:
        s = s + r[...]
    m = s[:, :mdim]
    pre = (jnp.dot(f, wn1f_r[...], preferred_element_type=F32)
           + jnp.dot(m, wn1m_r[...], preferred_element_type=F32)
           + bn1_r[...])
    h = jnp.dot(_silu(pre), wn2_r[...], preferred_element_type=F32) + bn2_r[...]
    hid_r[...] = f + h
    co_r[...] = c_r[...] + s[:, mdim:mdim + cdim]


def _run_node_mlp(feats, ctab, sps, wn1f, wn1m, bn1, wn2, bn2, mdim, nb):
    N, fdim = feats.shape
    cdim = ctab.shape[1]
    vdim = sps[0].shape[1]
    grid = (N // nb,)

    def em(i):
        return (i, 0)

    def w0(i):
        return (0, 0)

    return pl.pallas_call(
        functools.partial(_node_body, mdim, cdim, len(sps)),
        grid=grid,
        in_specs=[
            pl.BlockSpec((nb, fdim), em),
            pl.BlockSpec((nb, cdim), em),
        ] + [pl.BlockSpec((nb, vdim), em) for _ in sps] + [
            pl.BlockSpec(wn1f.shape, w0),
            pl.BlockSpec(wn1m.shape, w0),
            pl.BlockSpec(bn1.shape, w0),
            pl.BlockSpec(wn2.shape, w0),
            pl.BlockSpec(bn2.shape, w0),
        ],
        out_specs=[
            pl.BlockSpec((nb, cdim), em),
            pl.BlockSpec((nb, fdim), em),
        ],
        out_shape=[
            jax.ShapeDtypeStruct((N, cdim), F32),
            jax.ShapeDtypeStruct((N, fdim), F32),
        ],
        compiler_params=pltpu.CompilerParams(
            dimension_semantics=("arbitrary",)),
    )(feats, ctab, *sps, wn1f, wn1m, bn1, wn2, bn2)


def kernel(x, edge_index, edge_attr, We1, be1, We2, be2, Wc1, bc1, Wc2, bc2,
           Wn1, bn1, Wn2, bn2):
    pos_dim = 3
    N = x.shape[0]
    E = edge_index.shape[1]
    fdim = x.shape[1] - pos_dim
    pdim = fdim // 2
    cdim = 16
    adim = edge_attr.shape[1]
    hid = We1.shape[1]
    hp = 640
    mdim = We2.shape[1]

    coors = x[:, :pos_dim]
    feats = x[:, pos_dim:]
    ctab = jnp.pad(coors, ((0, 0), (0, cdim - pos_dim)))
    fpack = lax.bitcast_convert_type(
        feats.astype(BF16).reshape(N, pdim, 2), jnp.int32)
    tdim = 128
    tab = jnp.concatenate(
        [fpack, lax.bitcast_convert_type(ctab, jnp.int32),
         jnp.zeros((N, tdim - pdim - cdim), jnp.int32)], axis=1)
    idx0 = edge_index[0].astype(jnp.int32)
    idx1 = edge_index[1].astype(jnp.int32)

    perm = jnp.concatenate([jnp.arange(0, fdim, 2), jnp.arange(1, fdim, 2)])
    pad = ((0, 0), (0, hp - hid))
    wa = jnp.pad(We1[:fdim], pad).astype(BF16)[perm]
    wb = jnp.pad(We1[fdim:2 * fdim], pad).astype(BF16)[perm]
    wea = jnp.pad(We1[2 * fdim:2 * fdim + adim], pad)
    wd = jnp.pad(We1[2 * fdim + adim], (0, hp - hid)).reshape(1, hp)
    be1p = jnp.pad(be1, (0, hp - hid)).reshape(1, hp)
    we2p = jnp.pad(We2, ((0, hp - hid), (0, 0)))
    wc2r = Wc2.reshape(1, -1)
    bc2r = bc2.reshape(1, 1)
    be2r = be2.reshape(1, -1)
    bc1r = bc1.reshape(1, -1)
    wn1f = Wn1[:fdim]
    wn1m = Wn1[fdim:]
    bn1r = bn1.reshape(1, -1)
    bn2r = bn2.reshape(1, -1)

    K = 2
    Ec = E // K
    chunk = 200
    vdim = 128
    z = jnp.zeros((N, vdim), F32)
    gather = _make_gather(N, Ec, tdim, chunk)
    scatter = _make_scatter(N, Ec, vdim, chunk)

    sps = []
    for i in range(K):
        sl = slice(i * Ec, (i + 1) * Ec)
        G0, G1 = gather(tab, idx0[sl], idx1[sl])
        V = _run_edge_mlp(G0, G1, edge_attr[sl], wa, wb, wea, wd, be1p,
                          we2p, be2r, Wc1, bc1r, wc2r, bc2r, pdim=pdim,
                          cdim=cdim, eb=640)
        Sp = scatter(idx1[sl], V, z)
        sps.append(Sp[0])
        sps.append(Sp[1])

    co, hidden = _run_node_mlp(feats, ctab, sps,
                               wn1f, wn1m, bn1r, Wn2, bn2r, mdim=mdim,
                               nb=2000)

    return jnp.concatenate([co[:, :pos_dim], hidden], axis=-1)

# --- scband reference (transcript-rebuilt; emitter-appended) ---
"""Pipeline reference for scband-egnn-sparse-network-45732811768359 (READ-ONLY COPY).

The authoritative reference and input builder live on the scoring server;
editing this copy changes nothing except your own understanding.
"""

import jax, jax.numpy as jnp
import numpy as np


def silu(v):
    return v * jax.nn.sigmoid(v)


def setup_inputs(seed: int = 0) -> dict:
    key = jax.random.key(seed)
    ks = jax.random.split(key, 12)
    N, E = 10000, 320000
    feats_dim, pos_dim, edge_attr_dim, m_dim = 128, 3, 16, 16
    ein = edge_attr_dim + 1 + 2 * feats_dim  # 273
    x = jax.random.normal(ks[0], (N, pos_dim + feats_dim), dtype=jnp.float32)
    edge_index = jax.random.randint(ks[1], (2, E), 0, N, dtype=jnp.int64)
    edge_attr = jax.random.normal(ks[2], (E, edge_attr_dim), dtype=jnp.float32)

    def w(k, i, o):
        return jax.random.normal(k, (i, o), dtype=jnp.float32) * (1.0 / np.sqrt(i))

    return {
        "x": x,
        "edge_index": edge_index,
        "edge_attr": edge_attr,
        "We1": w(ks[3], ein, 2 * ein), "be1": jnp.zeros((2 * ein,), jnp.float32),
        "We2": w(ks[4], 2 * ein, m_dim), "be2": jnp.zeros((m_dim,), jnp.float32),
        "Wc1": w(ks[5], m_dim, 4 * m_dim), "bc1": jnp.zeros((4 * m_dim,), jnp.float32),
        "Wc2": w(ks[6], 4 * m_dim, 1), "bc2": jnp.zeros((1,), jnp.float32),
        "Wn1": w(ks[7], feats_dim + m_dim, 2 * feats_dim), "bn1": jnp.zeros((2 * feats_dim,), jnp.float32),
        "Wn2": w(ks[8], 2 * feats_dim, feats_dim), "bn2": jnp.zeros((feats_dim,), jnp.float32),
    }


def reference(x, edge_index, edge_attr, We1, be1, We2, be2, Wc1, bc1, Wc2, bc2, Wn1, bn1, Wn2, bn2):
    pos_dim = 3
    N = x.shape[0]
    coors = x[:, :pos_dim]
    feats = x[:, pos_dim:]
    ei0 = edge_index[0]
    ei1 = edge_index[1]
    # relative coordinates / squared distance
    rel_coors = coors[ei0] - coors[ei1]
    rel_dist = jnp.sum(rel_coors ** 2, axis=-1, keepdims=True)
    edge_attr_feats = jnp.concatenate([edge_attr, rel_dist], axis=-1)

    def edge_mlp(inp):
        h = silu(inp @ We1 + be1)
        return silu(h @ We2 + be2)

    # ---- coordinate update path (message_for_coors: x_i=x[ei0], x_j=x[ei1]) ----
    m_ij_coors = edge_mlp(jnp.concatenate([feats[ei0], feats[ei1], edge_attr_feats], axis=-1))
    coor_wij = silu(m_ij_coors @ Wc1 + bc1) @ Wc2 + bc2  # [E, 1]
    mhat_i = jax.ops.segment_sum(coor_wij * rel_coors, ei1, num_segments=N)
    coors_out = coors + mhat_i

    # ---- feature update path (PyG message: x_i=x[ei1], x_j=x[ei0]) ----
    m_ij = edge_mlp(jnp.concatenate([feats[ei1], feats[ei0], edge_attr_feats], axis=-1))
    m_i = jax.ops.segment_sum(m_ij, ei1, num_segments=N)
    h = silu(jnp.concatenate([feats, m_i], axis=-1) @ Wn1 + bn1) @ Wn2 + bn2
    hidden_out = feats + h

    return jnp.concatenate([coors_out, hidden_out], axis=-1)

if __name__ == "__main__":
    import jax
    _d = setup_inputs()
    print(jax.jit(kernel)(*tuple(_d.values())))

</pallas_src>

<mosaic_0001>
#map = affine_map<(d0, d1) -> (0, 0)>
#map1 = affine_map<(d0, d1) -> (0)>
module attributes {stable_mosaic.version = 14 : i64} {
  func.func @gather_k(%arg0: i32, %arg1: i32, %arg2: memref<10000x128xi32, #tpu.memory_space<hbm>>, %arg3: memref<160000xi32, #tpu.memory_space<hbm>>, %arg4: memref<160000xi32, #tpu.memory_space<hbm>>, %arg5: memref<160000x128xi32, #tpu.memory_space<hbm>>, %arg6: memref<160000x128xi32, #tpu.memory_space<hbm>>, %arg7: memref<200xi32, #tpu.memory_space<vmem>>, %arg8: memref<200xi32, #tpu.memory_space<vmem>>, %arg9: memref<200x128xi32, #tpu.memory_space<vmem>>, %arg10: memref<200x128xi32, #tpu.memory_space<vmem>>, %arg11: memref<!tpu.dma_semaphore, #tpu.memory_space<semaphore_mem>>) attributes {dimension_semantics = [#tpu.dimension_semantics<core_parallel>, #tpu.dimension_semantics<subcore_parallel>], iteration_bounds = array<i64: 2, 16>, scalar_prefetch = 0 : i64, scratch_operands = 5 : i64, tpu.core_type = #tpu.core_type<sc_vector_subcore>, window_params = [{transform_indices = #map}, {transform_indices = #map1}, {transform_indices = #map1}, {transform_indices = #map}, {transform_indices = #map}]} {
    %mul3A = arith.constant 2 : i32
    %mul3A_0 = arith.muli %arg1, %mul3A : i32
    %add3A = arith.addi %mul3A_0, %arg0 : i32
    %mul3A_1 = arith.constant 5000 : i32
    %mul3A_2 = arith.muli %add3A, %mul3A_1 : i32
    %scan3A = arith.constant 0 : i32
    %scan3A_3 = arith.constant 0 : i32
    %scan3A_4 = arith.constant 25 : i32
    %scan3A_5 = arith.addi %scan3A_3, %scan3A_4 : i32
    %scan3A_6 = arith.constant 1 : i32
    scf.for %scan3A_8 = %scan3A_3 to %scan3A_5 step %scan3A_6  : i32 {
      %mul3A_9 = arith.constant 200 : i32
      %mul3A_10 = arith.muli %scan3A_8, %mul3A_9 : i32
      %add3A_11 = arith.addi %mul3A_2, %mul3A_10 : i32
      "tpu.region"() ({
        %run_scoped3A = tpu.sem_alloc : memref<!tpu.dma_semaphore, #tpu.memory_space<semaphore_mem>>
        %dma_start3A_22 = tpu.memref_slice %arg3[%add3A_11] : memref<160000xi32, #tpu.memory_space<hbm>> -> memref<200xi32, #tpu.memory_space<hbm>>
        %dma_start3A_23 = tpu.memref_slice %arg3[%add3A_11] : memref<160000xi32, #tpu.memory_space<hbm>> -> memref<200xi32, #tpu.memory_space<hbm>>
        tpu.enqueue_dma source(%dma_start3A_23 : memref<200xi32, #tpu.memory_space<hbm>>) target(%arg7 : memref<200xi32, #tpu.memory_space<vmem>>) target_semaphore(%run_scoped3A : memref<!tpu.dma_semaphore, #tpu.memory_space<semaphore_mem>>)
        %dma_wait3A_24 = tpu.memref_slice %arg3[%add3A_11] : memref<160000xi32, #tpu.memory_space<hbm>> -> memref<200xi32, #tpu.memory_space<hbm>>
        %dma_wait3A_25 = tpu.memref_slice %arg3[%add3A_11] : memref<160000xi32, #tpu.memory_space<hbm>> -> memref<200xi32, #tpu.memory_space<hbm>>
        tpu.wait_dma2 semaphore(%run_scoped3A : memref<!tpu.dma_semaphore, #tpu.memory_space<semaphore_mem>>) src(%dma_wait3A_25 : memref<200xi32, #tpu.memory_space<hbm>>) dst(%arg7 : memref<200xi32, #tpu.memory_space<vmem>>)
        tpu.yield
      }) : () -> ()
      "tpu.region"() ({
        %run_scoped3A = tpu.sem_alloc : memref<!tpu.dma_semaphore, #tpu.memory_space<semaphore_mem>>
        %dma_start3A_22 = tpu.memref_slice %arg4[%add3A_11] : memref<160000xi32, #tpu.memory_space<hbm>> -> memref<200xi32, #tpu.memory_space<hbm>>
        %dma_start3A_23 = tpu.memref_slice %arg4[%add3A_11] : memref<160000xi32, #tpu.memory_space<hbm>> -> memref<200xi32, #tpu.memory_space<hbm>>
        tpu.enqueue_dma source(%dma_start3A_23 : memref<200xi32, #tpu.memory_space<hbm>>) target(%arg8 : memref<200xi32, #tpu.memory_space<vmem>>) target_semaphore(%run_scoped3A : memref<!tpu.dma_semaphore, #tpu.memory_space<semaphore_mem>>)
        %dma_wait3A_24 = tpu.memref_slice %arg4[%add3A_11] : memref<160000xi32, #tpu.memory_space<hbm>> -> memref<200xi32, #tpu.memory_space<hbm>>
        %dma_wait3A_25 = tpu.memref_slice %arg4[%add3A_11] : memref<160000xi32, #tpu.memory_space<hbm>> -> memref<200xi32, #tpu.memory_space<hbm>>
        tpu.wait_dma2 semaphore(%run_scoped3A : memref<!tpu.dma_semaphore, #tpu.memory_space<semaphore_mem>>) src(%dma_wait3A_25 : memref<200xi32, #tpu.memory_space<hbm>>) dst(%arg8 : memref<200xi32, #tpu.memory_space<vmem>>)
        tpu.yield
      }) : () -> ()
      %dma_start3A = arith.constant 0 : i32
      %dma_start3A_12 = arith.constant 0 : i32
      %dma_start3A_13 = tpu.memref_slice %arg2[%dma_start3A, %dma_start3A_12] : memref<10000x128xi32, #tpu.memory_space<hbm>> -> memref<10000x128xi32, #tpu.memory_space<hbm>>
      tpu.enqueue_indirect_dma source(%dma_start3A_13 : memref<10000x128xi32, #tpu.memory_space<hbm>>) target(%arg9 : memref<200x128xi32, #tpu.memory_space<vmem>>) offsets(%arg7 : memref<200xi32, #tpu.memory_space<vmem>>) semaphore(%arg11 : memref<!tpu.dma_semaphore, #tpu.memory_space<semaphore_mem>>)
      %dma_start3A_14 = arith.constant 0 : i32
      %dma_start3A_15 = arith.constant 0 : i32
      %dma_start3A_16 = tpu.memref_slice %arg2[%dma_start3A_14, %dma_start3A_15] : memref<10000x128xi32, #tpu.memory_space<hbm>> -> memref<10000x128xi32, #tpu.memory_space<hbm>>
      tpu.enqueue_indirect_dma source(%dma_start3A_16 : memref<10000x128xi32, #tpu.memory_space<hbm>>) target(%arg10 : memref<200x128xi32, #tpu.memory_space<vmem>>) offsets(%arg8 : memref<200xi32, #tpu.memory_space<vmem>>) semaphore(%arg11 : memref<!tpu.dma_semaphore, #tpu.memory_space<semaphore_mem>>)
      %dma_wait3A = arith.constant 0 : i32
      %dma_wait3A_17 = arith.constant 0 : i32
      %dma_wait3A_18 = tpu.memref_slice %arg2[%dma_wait3A, %dma_wait3A_17] : memref<10000x128xi32, #tpu.memory_space<hbm>> -> memref<10000x128xi32, #tpu.memory_space<hbm>>
      tpu.wait_indirect_dma semaphore(%arg11 : memref<!tpu.dma_semaphore, #tpu.memory_space<semaphore_mem>>) src(%dma_wait3A_18 : memref<10000x128xi32, #tpu.memory_space<hbm>>) dst(%arg9 : memref<200x128xi32, #tpu.memory_space<vmem>>)
      %dma_wait3A_19 = arith.constant 0 : i32
      %dma_wait3A_20 = arith.constant 0 : i32
      %dma_wait3A_21 = tpu.memref_slice %arg2[%dma_wait3A_19, %dma_wait3A_20] : memref<10000x128xi32, #tpu.memory_space<hbm>> -> memref<10000x128xi32, #tpu.memory_space<hbm>>
      tpu.wait_indirect_dma semaphore(%arg11 : memref<!tpu.dma_semaphore, #tpu.memory_space<semaphore_mem>>) src(%dma_wait3A_21 : memref<10000x128xi32, #tpu.memory_space<hbm>>) dst(%arg10 : memref<200x128xi32, #tpu.memory_space<vmem>>)
      "tpu.region"() ({
        %run_scoped3A = tpu.sem_alloc : memref<!tpu.dma_semaphore, #tpu.memory_space<semaphore_mem>>
        %dma_start3A_22 = arith.constant 0 : i32
        %dma_start3A_23 = tpu.memref_slice %arg5[%add3A_11, %dma_start3A_22] : memref<160000x128xi32, #tpu.memory_space<hbm>> -> memref<200x128xi32, #tpu.memory_space<hbm>>
        %dma_start3A_24 = arith.constant 0 : i32
        %dma_start3A_25 = tpu.memref_slice %arg5[%add3A_11, %dma_start3A_24] : memref<160000x128xi32, #tpu.memory_space<hbm>> -> memref<200x128xi32, #tpu.memory_space<hbm>>
        tpu.enqueue_dma source(%arg9 : memref<200x128xi32, #tpu.memory_space<vmem>>) target(%dma_start3A_25 : memref<200x128xi32, #tpu.memory_space<hbm>>) target_semaphore(%run_scoped3A : memref<!tpu.dma_semaphore, #tpu.memory_space<semaphore_mem>>)
        %dma_wait3A_26 = arith.constant 0 : i32
        %dma_wait3A_27 = tpu.memref_slice %arg5[%add3A_11, %dma_wait3A_26] : memref<160000x128xi32, #tpu.memory_space<hbm>> -> memref<200x128xi32, #tpu.memory_space<hbm>>
        %dma_wait3A_28 = arith.constant 0 : i32
        %dma_wait3A_29 = tpu.memref_slice %arg5[%add3A_11, %dma_wait3A_28] : memref<160000x128xi32, #tpu.memory_space<hbm>> -> memref<200x128xi32, #tpu.memory_space<hbm>>
        tpu.wait_dma2 semaphore(%run_scoped3A : memref<!tpu.dma_semaphore, #tpu.memory_space<semaphore_mem>>) src(%arg9 : memref<200x128xi32, #tpu.memory_space<vmem>>) dst(%dma_wait3A_29 : memref<200x128xi32, #tpu.memory_space<hbm>>)
        tpu.yield
      }) : () -> ()
      "tpu.region"() ({
        %run_scoped3A = tpu.sem_alloc : memref<!tpu.dma_semaphore, #tpu.memory_space<semaphore_mem>>
        %dma_start3A_22 = arith.constant 0 : i32
        %dma_start3A_23 = tpu.memref_slice %arg6[%add3A_11, %dma_start3A_22] : memref<160000x128xi32, #tpu.memory_space<hbm>> -> memref<200x128xi32, #tpu.memory_space<hbm>>
        %dma_start3A_24 = arith.constant 0 : i32
        %dma_start3A_25 = tpu.memref_slice %arg6[%add3A_11, %dma_start3A_24] : memref<160000x128xi32, #tpu.memory_space<hbm>> -> memref<200x128xi32, #tpu.memory_space<hbm>>
        tpu.enqueue_dma source(%arg10 : memref<200x128xi32, #tpu.memory_space<vmem>>) target(%dma_start3A_25 : memref<200x128xi32, #tpu.memory_space<hbm>>) target_semaphore(%run_scoped3A : memref<!tpu.dma_semaphore, #tpu.memory_space<semaphore_mem>>)
        %dma_wait3A_26 = arith.constant 0 : i32
        %dma_wait3A_27 = tpu.memref_slice %arg6[%add3A_11, %dma_wait3A_26] : memref<160000x128xi32, #tpu.memory_space<hbm>> -> memref<200x128xi32, #tpu.memory_space<hbm>>
        %dma_wait3A_28 = arith.constant 0 : i32
        %dma_wait3A_29 = tpu.memref_slice %arg6[%add3A_11, %dma_wait3A_28] : memref<160000x128xi32, #tpu.memory_space<hbm>> -> memref<200x128xi32, #tpu.memory_space<hbm>>
        tpu.wait_dma2 semaphore(%run_scoped3A : memref<!tpu.dma_semaphore, #tpu.memory_space<semaphore_mem>>) src(%arg10 : memref<200x128xi32, #tpu.memory_space<vmem>>) dst(%dma_wait3A_29 : memref<200x128xi32, #tpu.memory_space<hbm>>)
        tpu.yield
      }) : () -> ()
    }
    %scan3A_7 = arith.constant 25 : i32
    return
  }
}

#map = affine_map<(d0, d1) -> (0, 0)>
#map1 = affine_map<(d0, d1) -> (0)>
module attributes {stable_mosaic.version = 14 : i64} {
  func.func @gather_k(%arg0: i32, %arg1: i32, %arg2: memref<10000x128xi32, #tpu.memory_space<hbm>>, %arg3: memref<160000xi32, #tpu.memory_space<hbm>>, %arg4: memref<160000xi32, #tpu.memory_space<hbm>>, %arg5: memref<160000x128xi32, #tpu.memory_space<hbm>>, %arg6: memref<160000x128xi32, #tpu.memory_space<hbm>>, %arg7: memref<200xi32, #tpu.memory_space<vmem>>, %arg8: memref<200xi32, #tpu.memory_space<vmem>>, %arg9: memref<200x128xi32, #tpu.memory_space<vmem>>, %arg10: memref<200x128xi32, #tpu.memory_space<vmem>>, %arg11: memref<!tpu.dma_semaphore, #tpu.memory_space<semaphore_mem>>) attributes {dimension_semantics = [#tpu.dimension_semantics<core_parallel>, #tpu.dimension_semantics<subcore_parallel>], iteration_bounds = array<i64: 2, 16>, scalar_prefetch = 0 : i64, scratch_operands = 5 : i64, tpu.core_type = #tpu.core_type<sc_vector_subcore>, window_params = [{transform_indices = #map}, {transform_indices = #map1}, {transform_indices = #map1}, {transform_indices = #map}, {transform_indices = #map}]} {
    %mul3A = arith.constant 2 : i32
    %mul3A_0 = arith.muli %arg1, %mul3A : i32
    %add3A = arith.addi %mul3A_0, %arg0 : i32
    %mul3A_1 = arith.constant 5000 : i32
    %mul3A_2 = arith.muli %add3A, %mul3A_1 : i32
    %scan3A = arith.constant 0 : i32
    %scan3A_3 = arith.constant 0 : i32
    %scan3A_4 = arith.constant 25 : i32
    %scan3A_5 = arith.addi %scan3A_3, %scan3A_4 : i32
    %scan3A_6 = arith.constant 1 : i32
    scf.for %scan3A_8 = %scan3A_3 to %scan3A_5 step %scan3A_6  : i32 {
      %mul3A_9 = arith.constant 200 : i32
      %mul3A_10 = arith.muli %scan3A_8, %mul3A_9 : i32
      %add3A_11 = arith.addi %mul3A_2, %mul3A_10 : i32
      "tpu.region"() ({
        %run_scoped3A = tpu.sem_alloc : memref<!tpu.dma_semaphore, #tpu.memory_space<semaphore_mem>>
        %dma_start3A_22 = tpu.memref_slice %arg3[%add3A_11] : memref<160000xi32, #tpu.memory_space<hbm>> -> memref<200xi32, #tpu.memory_space<hbm>>
        %dma_start3A_23 = tpu.memref_slice %arg3[%add3A_11] : memref<160000xi32, #tpu.memory_space<hbm>> -> memref<200xi32, #tpu.memory_space<hbm>>
        tpu.enqueue_dma source(%dma_start3A_23 : memref<200xi32, #tpu.memory_space<hbm>>) target(%arg7 : memref<200xi32, #tpu.memory_space<vmem>>) target_semaphore(%run_scoped3A : memref<!tpu.dma_semaphore, #tpu.memory_space<semaphore_mem>>)
        %dma_wait3A_24 = tpu.memref_slice %arg3[%add3A_11] : memref<160000xi32, #tpu.memory_space<hbm>> -> memref<200xi32, #tpu.memory_space<hbm>>
        %dma_wait3A_25 = tpu.memref_slice %arg3[%add3A_11] : memref<160000xi32, #tpu.memory_space<hbm>> -> memref<200xi32, #tpu.memory_space<hbm>>
        tpu.wait_dma2 semaphore(%run_scoped3A : memref<!tpu.dma_semaphore, #tpu.memory_space<semaphore_mem>>) src(%dma_wait3A_25 : memref<200xi32, #tpu.memory_space<hbm>>) dst(%arg7 : memref<200xi32, #tpu.memory_space<vmem>>)
        tpu.yield
      }) : () -> ()
      "tpu.region"() ({
        %run_scoped3A = tpu.sem_alloc : memref<!tpu.dma_semaphore, #tpu.memory_space<semaphore_mem>>
        %dma_start3A_22 = tpu.memref_slice %arg4[%add3A_11] : memref<160000xi32, #tpu.memory_space<hbm>> -> memref<200xi32, #tpu.memory_space<hbm>>
        %dma_start3A_23 = tpu.memref_slice %arg4[%add3A_11] : memref<160000xi32, #tpu.memory_space<hbm>> -> memref<200xi32, #tpu.memory_space<hbm>>
        tpu.enqueue_dma source(%dma_start3A_23 : memref<200xi32, #tpu.memory_space<hbm>>) target(%arg8 : memref<200xi32, #tpu.memory_space<vmem>>) target_semaphore(%run_scoped3A : memref<!tpu.dma_semaphore, #tpu.memory_space<semaphore_mem>>)
        %dma_wait3A_24 = tpu.memref_slice %arg4[%add3A_11] : memref<160000xi32, #tpu.memory_space<hbm>> -> memref<200xi32, #tpu.memory_space<hbm>>
        %dma_wait3A_25 = tpu.memref_slice %arg4[%add3A_11] : memref<160000xi32, #tpu.memory_space<hbm>> -> memref<200xi32, #tpu.memory_space<hbm>>
        tpu.wait_dma2 semaphore(%run_scoped3A : memref<!tpu.dma_semaphore, #tpu.memory_space<semaphore_mem>>) src(%dma_wait3A_25 : memref<200xi32, #tpu.memory_space<hbm>>) dst(%arg8 : memref<200xi32, #tpu.memory_space<vmem>>)
        tpu.yield
      }) : () -> ()
      %dma_start3A = arith.constant 0 : i32
      %dma_start3A_12 = arith.constant 0 : i32
      %dma_start3A_13 = tpu.memref_slice %arg2[%dma_start3A, %dma_start3A_12] : memref<10000x128xi32, #tpu.memory_space<hbm>> -> memref<10000x128xi32, #tpu.memory_space<hbm>>
      tpu.enqueue_indirect_dma source(%dma_start3A_13 : memref<10000x128xi32, #tpu.memory_space<hbm>>) target(%arg9 : memref<200x128xi32, #tpu.memory_space<vmem>>) offsets(%arg7 : memref<200xi32, #tpu.memory_space<vmem>>) semaphore(%arg11 : memref<!tpu.dma_semaphore, #tpu.memory_space<semaphore_mem>>)
      %dma_start3A_14 = arith.constant 0 : i32
      %dma_start3A_15 = arith.constant 0 : i32
      %dma_start3A_16 = tpu.memref_slice %arg2[%dma_start3A_14, %dma_start3A_15] : memref<10000x128xi32, #tpu.memory_space<hbm>> -> memref<10000x128xi32, #tpu.memory_space<hbm>>
      tpu.enqueue_indirect_dma source(%dma_start3A_16 : memref<10000x128xi32, #tpu.memory_space<hbm>>) target(%arg10 : memref<200x128xi32, #tpu.memory_space<vmem>>) offsets(%arg8 : memref<200xi32, #tpu.memory_space<vmem>>) semaphore(%arg11 : memref<!tpu.dma_semaphore, #tpu.memory_space<semaphore_mem>>)
      %dma_wait3A = arith.constant 0 : i32
      %dma_wait3A_17 = arith.constant 0 : i32
      %dma_wait3A_18 = tpu.memref_slice %arg2[%dma_wait3A, %dma_wait3A_17] : memref<10000x128xi32, #tpu.memory_space<hbm>> -> memref<10000x128xi32, #tpu.memory_space<hbm>>
      tpu.wait_indirect_dma semaphore(%arg11 : memref<!tpu.dma_semaphore, #tpu.memory_space<semaphore_mem>>) src(%dma_wait3A_18 : memref<10000x128xi32, #tpu.memory_space<hbm>>) dst(%arg9 : memref<200x128xi32, #tpu.memory_space<vmem>>)
      %dma_wait3A_19 = arith.constant 0 : i32
      %dma_wait3A_20 = arith.constant 0 : i32
      %dma_wait3A_21 = tpu.memref_slice %arg2[%dma_wait3A_19, %dma_wait3A_20] : memref<10000x128xi32, #tpu.memory_space<hbm>> -> memref<10000x128xi32, #tpu.memory_space<hbm>>
      tpu.wait_indirect_dma semaphore(%arg11 : memref<!tpu.dma_semaphore, #tpu.memory_space<semaphore_mem>>) src(%dma_wait3A_21 : memref<10000x128xi32, #tpu.memory_space<hbm>>) dst(%arg10 : memref<200x128xi32, #tpu.memory_space<vmem>>)
      "tpu.region"() ({
        %run_scoped3A = tpu.sem_alloc : memref<!tpu.dma_semaphore, #tpu.memory_space<semaphore_mem>>
        %dma_start3A_22 = arith.constant 0 : i32
        %dma_start3A_23 = tpu.memref_slice %arg5[%add3A_11, %dma_start3A_22] : memref<160000x128xi32, #tpu.memory_space<hbm>> -> memref<200x128xi32, #tpu.memory_space<hbm>>
        %dma_start3A_24 = arith.constant 0 : i32
        %dma_start3A_25 = tpu.memref_slice %arg5[%add3A_11, %dma_start3A_24] : memref<160000x128xi32, #tpu.memory_space<hbm>> -> memref<200x128xi32, #tpu.memory_space<hbm>>
        tpu.enqueue_dma source(%arg9 : memref<200x128xi32, #tpu.memory_space<vmem>>) target(%dma_start3A_25 : memref<200x128xi32, #tpu.memory_space<hbm>>) target_semaphore(%run_scoped3A : memref<!tpu.dma_semaphore, #tpu.memory_space<semaphore_mem>>)
        %dma_wait3A_26 = arith.constant 0 : i32
        %dma_wait3A_27 = tpu.memref_slice %arg5[%add3A_11, %dma_wait3A_26] : memref<160000x128xi32, #tpu.memory_space<hbm>> -> memref<200x128xi32, #tpu.memory_space<hbm>>
        %dma_wait3A_28 = arith.constant 0 : i32
        %dma_wait3A_29 = tpu.memref_slice %arg5[%add3A_11, %dma_wait3A_28] : memref<160000x128xi32, #tpu.memory_space<hbm>> -> memref<200x128xi32, #tpu.memory_space<hbm>>
        tpu.wait_dma2 semaphore(%run_scoped3A : memref<!tpu.dma_semaphore, #tpu.memory_space<semaphore_mem>>) src(%arg9 : memref<200x128xi32, #tpu.memory_space<vmem>>) dst(%dma_wait3A_29 : memref<200x128xi32, #tpu.memory_space<hbm>>)
        tpu.yield
      }) : () -> ()
      "tpu.region"() ({
        %run_scoped3A = tpu.sem_alloc : memref<!tpu.dma_semaphore, #tpu.memory_space<semaphore_mem>>
        %dma_start3A_22 = arith.constant 0 : i32
        %dma_start3A_23 = tpu.memref_slice %arg6[%add3A_11, %dma_start3A_22] : memref<160000x128xi32, #tpu.memory_space<hbm>> -> memref<200x128xi32, #tpu.memory_space<hbm>>
        %dma_start3A_24 = arith.constant 0 : i32
        %dma_start3A_25 = tpu.memref_slice %arg6[%add3A_11, %dma_start3A_24] : memref<160000x128xi32, #tpu.memory_space<hbm>> -> memref<200x128xi32, #tpu.memory_space<hbm>>
        tpu.enqueue_dma source(%arg10 : memref<200x128xi32, #tpu.memory_space<vmem>>) target(%dma_start3A_25 : memref<200x128xi32, #tpu.memory_space<hbm>>) target_semaphore(%run_scoped3A : memref<!tpu.dma_semaphore, #tpu.memory_space<semaphore_mem>>)
        %dma_wait3A_26 = arith.constant 0 : i32
        %dma_wait3A_27 = tpu.memref_slice %arg6[%add3A_11, %dma_wait3A_26] : memref<160000x128xi32, #tpu.memory_space<hbm>> -> memref<200x128xi32, #tpu.memory_space<hbm>>
        %dma_wait3A_28 = arith.constant 0 : i32
        %dma_wait3A_29 = tpu.memref_slice %arg6[%add3A_11, %dma_wait3A_28] : memref<160000x128xi32, #tpu.memory_space<hbm>> -> memref<200x128xi32, #tpu.memory_space<hbm>>
        tpu.wait_dma2 semaphore(%run_scoped3A : memref<!tpu.dma_semaphore, #tpu.memory_space<semaphore_mem>>) src(%arg10 : memref<200x128xi32, #tpu.memory_space<vmem>>) dst(%dma_wait3A_29 : memref<200x128xi32, #tpu.memory_space<hbm>>)
        tpu.yield
      }) : () -> ()
    }
    %scan3A_7 = arith.constant 25 : i32
    return
  }
}

#map = affine_map<(d0, d1) -> (0)>
#map1 = affine_map<(d0, d1) -> (0, 0)>
#map2 = affine_map<(d0, d1) -> (0, 0, 0)>
module attributes {stable_mosaic.version = 14 : i64} {
  func.func @scatter_k(%arg0: i32, %arg1: i32, %arg2: memref<160000xi32, #tpu.memory_space<hbm>>, %arg3: memref<160000x128xf32, #tpu.memory_space<hbm>>, %arg4: memref<10000x128xf32, #tpu.memory_space<hbm>>, %arg5: memref<2x10000x128xf32, #tpu.memory_space<hbm>>, %arg6: memref<200xi32, #tpu.memory_space<vmem>>, %arg7: memref<200x128xf32, #tpu.memory_space<vmem>>, %arg8: memref<10000x128xf32, #tpu.memory_space<vmem_shared>>, %arg9: memref<!tpu.dma_semaphore, #tpu.memory_space<semaphore_mem>>) attributes {dimension_semantics = [#tpu.dimension_semantics<core_parallel>, #tpu.dimension_semantics<subcore_parallel>], iteration_bounds = array<i64: 2, 16>, scalar_prefetch = 0 : i64, scratch_operands = 4 : i64, tpu.core_type = #tpu.core_type<sc_vector_subcore>, window_params = [{transform_indices = #map}, {transform_indices = #map1}, {transform_indices = #map1}, {transform_indices = #map2}]} {
    %mul3A = arith.constant 16 : i32
    %mul3A_0 = arith.muli %arg0, %mul3A : i32
    %add3A = arith.addi %mul3A_0, %arg1 : i32
    %mul3A_1 = arith.constant 5000 : i32
    %mul3A_2 = arith.muli %add3A, %mul3A_1 : i32
    %eq3A = arith.constant 0 : i32
    %eq3A_3 = arith.cmpi eq, %arg1, %eq3A : i32
    %convert_element_type3A = arith.extui %eq3A_3 : i1 to i32
    %cond3A = arith.constant 0 : i32
    %cond3A_4 = arith.cmpi ne, %convert_element_type3A, %cond3A : i32
    scf.if %cond3A_4 {
      "tpu.region"() ({
        %run_scoped3A = tpu.sem_alloc : memref<!tpu.dma_semaphore, #tpu.memory_space<semaphore_mem>>
        tpu.enqueue_dma source(%arg4 : memref<10000x128xf32, #tpu.memory_space<hbm>>) target(%arg8 : memref<10000x128xf32, #tpu.memory_space<vmem_shared>>) target_semaphore(%run_scoped3A : memref<!tpu.dma_semaphore, #tpu.memory_space<semaphore_mem>>)
        tpu.wait_dma2 semaphore(%run_scoped3A : memref<!tpu.dma_semaphore, #tpu.memory_space<semaphore_mem>>) src(%arg4 : memref<10000x128xf32, #tpu.memory_space<hbm>>) dst(%arg8 : memref<10000x128xf32, #tpu.memory_space<vmem_shared>>)
        tpu.yield
      }) : () -> ()
    } else {
    }
    %barrier3A = arith.constant 0 : index
    tpu.barrier barrier_id(%barrier3A)
    %scan3A = arith.constant 0 : i32
    %scan3A_5 = arith.constant 0 : i32
    %scan3A_6 = arith.constant 25 : i32
    %scan3A_7 = arith.addi %scan3A_5, %scan3A_6 : i32
    %scan3A_8 = arith.constant 1 : i32
    scf.for %scan3A_16 = %scan3A_5 to %scan3A_7 step %scan3A_8  : i32 {
      %mul3A_17 = arith.constant 200 : i32
      %mul3A_18 = arith.muli %scan3A_16, %mul3A_17 : i32
      %add3A_19 = arith.addi %mul3A_2, %mul3A_18 : i32
      "tpu.region"() ({
        %run_scoped3A = tpu.sem_alloc : memref<!tpu.dma_semaphore, #tpu.memory_space<semaphore_mem>>
        %dma_start3A = tpu.memref_slice %arg2[%add3A_19] : memref<160000xi32, #tpu.memory_space<hbm>> -> memref<200xi32, #tpu.memory_space<hbm>>
        %dma_start3A_20 = tpu.memref_slice %arg2[%add3A_19] : memref<160000xi32, #tpu.memory_space<hbm>> -> memref<200xi32, #tpu.memory_space<hbm>>
        tpu.enqueue_dma source(%dma_start3A_20 : memref<200xi32, #tpu.memory_space<hbm>>) target(%arg6 : memref<200xi32, #tpu.memory_space<vmem>>) target_semaphore(%run_scoped3A : memref<!tpu.dma_semaphore, #tpu.memory_space<semaphore_mem>>)
        %dma_wait3A = tpu.memref_slice %arg2[%add3A_19] : memref<160000xi32, #tpu.memory_space<hbm>> -> memref<200xi32, #tpu.memory_space<hbm>>
        %dma_wait3A_21 = tpu.memref_slice %arg2[%add3A_19] : memref<160000xi32, #tpu.memory_space<hbm>> -> memref<200xi32, #tpu.memory_space<hbm>>
        tpu.wait_dma2 semaphore(%run_scoped3A : memref<!tpu.dma_semaphore, #tpu.memory_space<semaphore_mem>>) src(%dma_wait3A_21 : memref<200xi32, #tpu.memory_space<hbm>>) dst(%arg6 : memref<200xi32, #tpu.memory_space<vmem>>)
        tpu.yield
      }) : () -> ()
      "tpu.region"() ({
        %run_scoped3A = tpu.sem_alloc : memref<!tpu.dma_semaphore, #tpu.memory_space<semaphore_mem>>
        %dma_start3A = arith.constant 0 : i32
        %dma_start3A_20 = tpu.memref_slice %arg3[%add3A_19, %dma_start3A] : memref<160000x128xf32, #tpu.memory_space<hbm>> -> memref<200x128xf32, #tpu.memory_space<hbm>>
        %dma_start3A_21 = arith.constant 0 : i32
        %dma_start3A_22 = tpu.memref_slice %arg3[%add3A_19, %dma_start3A_21] : memref<160000x128xf32, #tpu.memory_space<hbm>> -> memref<200x128xf32, #tpu.memory_space<hbm>>
        tpu.enqueue_dma source(%dma_start3A_22 : memref<200x128xf32, #tpu.memory_space<hbm>>) target(%arg7 : memref<200x128xf32, #tpu.memory_space<vmem>>) target_semaphore(%run_scoped3A : memref<!tpu.dma_semaphore, #tpu.memory_space<semaphore_mem>>)
        %dma_wait3A = arith.constant 0 : i32
        %dma_wait3A_23 = tpu.memref_slice %arg3[%add3A_19, %dma_wait3A] : memref<160000x128xf32, #tpu.memory_space<hbm>> -> memref<200x128xf32, #tpu.memory_space<hbm>>
        %dma_wait3A_24 = arith.constant 0 : i32
        %dma_wait3A_25 = tpu.memref_slice %arg3[%add3A_19, %dma_wait3A_24] : memref<160000x128xf32, #tpu.memory_space<hbm>> -> memref<200x128xf32, #tpu.memory_space<hbm>>
        tpu.wait_dma2 semaphore(%run_scoped3A : memref<!tpu.dma_semaphore, #tpu.memory_space<semaphore_mem>>) src(%dma_wait3A_25 : memref<200x128xf32, #tpu.memory_space<hbm>>) dst(%arg7 : memref<200x128xf32, #tpu.memory_space<vmem>>)
        tpu.yield
      }) : () -> ()
      "tpu.region"() ({
        %run_scoped3A = tpu.sem_alloc : memref<!tpu.dma_semaphore, #tpu.memory_space<semaphore_mem>>
        %dma_start3A = arith.constant 0 : i32
        %dma_start3A_20 = arith.constant 0 : i32
        %dma_start3A_21 = tpu.memref_slice %arg8[%dma_start3A, %dma_start3A_20] : memref<10000x128xf32, #tpu.memory_space<vmem_shared>> -> memref<10000x128xf32, #tpu.memory_space<vmem_shared>>
        tpu.enqueue_indirect_dma source(%arg7 : memref<200x128xf32, #tpu.memory_space<vmem>>) target(%dma_start3A_21 : memref<10000x128xf32, #tpu.memory_space<vmem_shared>>) offsets(%arg6 : memref<200xi32, #tpu.memory_space<vmem>>) semaphore(%run_scoped3A : memref<!tpu.dma_semaphore, #tpu.memory_space<semaphore_mem>>) {add = true}
        %dma_wait3A = arith.constant 0 : i32
        %dma_wait3A_22 = arith.constant 0 : i32
        %dma_wait3A_23 = tpu.memref_slice %arg8[%dma_wait3A, %dma_wait3A_22] : memref<10000x128xf32, #tpu.memory_space<vmem_shared>> -> memref<10000x128xf32, #tpu.memory_space<vmem_shared>>
        tpu.wait_indirect_dma semaphore(%run_scoped3A : memref<!tpu.dma_semaphore, #tpu.memory_space<semaphore_mem>>) src(%arg7 : memref<200x128xf32, #tpu.memory_space<vmem>>) dst(%dma_wait3A_23 : memref<10000x128xf32, #tpu.memory_space<vmem_shared>>)
        tpu.yield
      }) : () -> ()
    }
    %scan3A_9 = arith.constant 25 : i32
    %barrier3A_10 = arith.constant 0 : index
    tpu.barrier barrier_id(%barrier3A_10)
    %eq3A_11 = arith.constant 0 : i32
    %eq3A_12 = arith.cmpi eq, %arg1, %eq3A_11 : i32
    %convert_element_type3A_13 = arith.extui %eq3A_12 : i1 to i32
    %cond3A_14 = arith.constant 0 : i32
    %cond3A_15 = arith.cmpi ne, %convert_element_type3A_13, %cond3A_14 : i32
    scf.if %cond3A_15 {
      "tpu.region"() ({
        %run_scoped3A = tpu.sem_alloc : memref<!tpu.dma_semaphore, #tpu.memory_space<semaphore_mem>>
        %dma_start3A = arith.constant 0 : i32
        %dma_start3A_16 = arith.constant 0 : i32
        %dma_start3A_17 = tpu.memref_slice %arg5[%arg0, %dma_start3A, %dma_start3A_16] : memref<2x10000x128xf32, #tpu.memory_space<hbm>> -> memref<1x10000x128xf32, #tpu.memory_space<hbm>>
        %dma_start3A_18 = tpu.memref_squeeze %dma_start3A_17 : memref<1x10000x128xf32, #tpu.memory_space<hbm>> -> memref<10000x128xf32, #tpu.memory_space<hbm>>
        tpu.enqueue_dma source(%arg8 : memref<10000x128xf32, #tpu.memory_space<vmem_shared>>) target(%dma_start3A_18 : memref<10000x128xf32, #tpu.memory_space<hbm>>) target_semaphore(%run_scoped3A : memref<!tpu.dma_semaphore, #tpu.memory_space<semaphore_mem>>)
        %dma_wait3A = arith.constant 0 : i32
        %dma_wait3A_19 = arith.constant 0 : i32
        %dma_wait3A_20 = tpu.memref_slice %arg5[%arg0, %dma_wait3A, %dma_wait3A_19] : memref<2x10000x128xf32, #tpu.memory_space<hbm>> -> memref<1x10000x128xf32, #tpu.memory_space<hbm>>
        %dma_wait3A_21 = tpu.memref_squeeze %dma_wait3A_20 : memref<1x10000x128xf32, #tpu.memory_space<hbm>> -> memref<10000x128xf32, #tpu.memory_space<hbm>>
        tpu.wait_dma2 semaphore(%run_scoped3A : memref<!tpu.dma_semaphore, #tpu.memory_space<semaphore_mem>>) src(%arg8 : memref<10000x128xf32, #tpu.memory_space<vmem_shared>>) dst(%dma_wait3A_21 : memref<10000x128xf32, #tpu.memory_space<hbm>>)
        tpu.yield
      }) : () -> ()
    } else {
    }
    return
  }
}

#map = affine_map<(d0, d1) -> (0)>
#map1 = affine_map<(d0, d1) -> (0, 0)>
#map2 = affine_map<(d0, d1) -> (0, 0, 0)>
module attributes {stable_mosaic.version = 14 : i64} {
  func.func @scatter_k(%arg0: i32, %arg1: i32, %arg2: memref<160000xi32, #tpu.memory_space<hbm>>, %arg3: memref<160000x128xf32, #tpu.memory_space<hbm>>, %arg4: memref<10000x128xf32, #tpu.memory_space<hbm>>, %arg5: memref<2x10000x128xf32, #tpu.memory_space<hbm>>, %arg6: memref<200xi32, #tpu.memory_space<vmem>>, %arg7: memref<200x128xf32, #tpu.memory_space<vmem>>, %arg8: memref<10000x128xf32, #tpu.memory_space<vmem_shared>>, %arg9: memref<!tpu.dma_semaphore, #tpu.memory_space<semaphore_mem>>) attributes {dimension_semantics = [#tpu.dimension_semantics<core_parallel>, #tpu.dimension_semantics<subcore_parallel>], iteration_bounds = array<i64: 2, 16>, scalar_prefetch = 0 : i64, scratch_operands = 4 : i64, tpu.core_type = #tpu.core_type<sc_vector_subcore>, window_params = [{transform_indices = #map}, {transform_indices = #map1}, {transform_indices = #map1}, {transform_indices = #map2}]} {
    %mul3A = arith.constant 16 : i32
    %mul3A_0 = arith.muli %arg0, %mul3A : i32
    %add3A = arith.addi %mul3A_0, %arg1 : i32
    %mul3A_1 = arith.constant 5000 : i32
    %mul3A_2 = arith.muli %add3A, %mul3A_1 : i32
    %eq3A = arith.constant 0 : i32
    %eq3A_3 = arith.cmpi eq, %arg1, %eq3A : i32
    %convert_element_type3A = arith.extui %eq3A_3 : i1 to i32
    %cond3A = arith.constant 0 : i32
    %cond3A_4 = arith.cmpi ne, %convert_element_type3A, %cond3A : i32
    scf.if %cond3A_4 {
      "tpu.region"() ({
        %run_scoped3A = tpu.sem_alloc : memref<!tpu.dma_semaphore, #tpu.memory_space<semaphore_mem>>
        tpu.enqueue_dma source(%arg4 : memref<10000x128xf32, #tpu.memory_space<hbm>>) target(%arg8 : memref<10000x128xf32, #tpu.memory_space<vmem_shared>>) target_semaphore(%run_scoped3A : memref<!tpu.dma_semaphore, #tpu.memory_space<semaphore_mem>>)
        tpu.wait_dma2 semaphore(%run_scoped3A : memref<!tpu.dma_semaphore, #tpu.memory_space<semaphore_mem>>) src(%arg4 : memref<10000x128xf32, #tpu.memory_space<hbm>>) dst(%arg8 : memref<10000x128xf32, #tpu.memory_space<vmem_shared>>)
        tpu.yield
      }) : () -> ()
    } else {
    }
    %barrier3A = arith.constant 0 : index
    tpu.barrier barrier_id(%barrier3A)
    %scan3A = arith.constant 0 : i32
    %scan3A_5 = arith.constant 0 : i32
    %scan3A_6 = arith.constant 25 : i32
    %scan3A_7 = arith.addi %scan3A_5, %scan3A_6 : i32
    %scan3A_8 = arith.constant 1 : i32
    scf.for %scan3A_16 = %scan3A_5 to %scan3A_7 step %scan3A_8  : i32 {
      %mul3A_17 = arith.constant 200 : i32
      %mul3A_18 = arith.muli %scan3A_16, %mul3A_17 : i32
      %add3A_19 = arith.addi %mul3A_2, %mul3A_18 : i32
      "tpu.region"() ({
        %run_scoped3A = tpu.sem_alloc : memref<!tpu.dma_semaphore, #tpu.memory_space<semaphore_mem>>
        %dma_start3A = tpu.memref_slice %arg2[%add3A_19] : memref<160000xi32, #tpu.memory_space<hbm>> -> memref<200xi32, #tpu.memory_space<hbm>>
        %dma_start3A_20 = tpu.memref_slice %arg2[%add3A_19] : memref<160000xi32, #tpu.memory_space<hbm>> -> memref<200xi32, #tpu.memory_space<hbm>>
        tpu.enqueue_dma source(%dma_start3A_20 : memref<200xi32, #tpu.memory_space<hbm>>) target(%arg6 : memref<200xi32, #tpu.memory_space<vmem>>) target_semaphore(%run_scoped3A : memref<!tpu.dma_semaphore, #tpu.memory_space<semaphore_mem>>)
        %dma_wait3A = tpu.memref_slice %arg2[%add3A_19] : memref<160000xi32, #tpu.memory_space<hbm>> -> memref<200xi32, #tpu.memory_space<hbm>>
        %dma_wait3A_21 = tpu.memref_slice %arg2[%add3A_19] : memref<160000xi32, #tpu.memory_space<hbm>> -> memref<200xi32, #tpu.memory_space<hbm>>
        tpu.wait_dma2 semaphore(%run_scoped3A : memref<!tpu.dma_semaphore, #tpu.memory_space<semaphore_mem>>) src(%dma_wait3A_21 : memref<200xi32, #tpu.memory_space<hbm>>) dst(%arg6 : memref<200xi32, #tpu.memory_space<vmem>>)
        tpu.yield
      }) : () -> ()
      "tpu.region"() ({
        %run_scoped3A = tpu.sem_alloc : memref<!tpu.dma_semaphore, #tpu.memory_space<semaphore_mem>>
        %dma_start3A = arith.constant 0 : i32
        %dma_start3A_20 = tpu.memref_slice %arg3[%add3A_19, %dma_start3A] : memref<160000x128xf32, #tpu.memory_space<hbm>> -> memref<200x128xf32, #tpu.memory_space<hbm>>
        %dma_start3A_21 = arith.constant 0 : i32
        %dma_start3A_22 = tpu.memref_slice %arg3[%add3A_19, %dma_start3A_21] : memref<160000x128xf32, #tpu.memory_space<hbm>> -> memref<200x128xf32, #tpu.memory_space<hbm>>
        tpu.enqueue_dma source(%dma_start3A_22 : memref<200x128xf32, #tpu.memory_space<hbm>>) target(%arg7 : memref<200x128xf32, #tpu.memory_space<vmem>>) target_semaphore(%run_scoped3A : memref<!tpu.dma_semaphore, #tpu.memory_space<semaphore_mem>>)
        %dma_wait3A = arith.constant 0 : i32
        %dma_wait3A_23 = tpu.memref_slice %arg3[%add3A_19, %dma_wait3A] : memref<160000x128xf32, #tpu.memory_space<hbm>> -> memref<200x128xf32, #tpu.memory_space<hbm>>
        %dma_wait3A_24 = arith.constant 0 : i32
        %dma_wait3A_25 = tpu.memref_slice %arg3[%add3A_19, %dma_wait3A_24] : memref<160000x128xf32, #tpu.memory_space<hbm>> -> memref<200x128xf32, #tpu.memory_space<hbm>>
        tpu.wait_dma2 semaphore(%run_scoped3A : memref<!tpu.dma_semaphore, #tpu.memory_space<semaphore_mem>>) src(%dma_wait3A_25 : memref<200x128xf32, #tpu.memory_space<hbm>>) dst(%arg7 : memref<200x128xf32, #tpu.memory_space<vmem>>)
        tpu.yield
      }) : () -> ()
      "tpu.region"() ({
        %run_scoped3A = tpu.sem_alloc : memref<!tpu.dma_semaphore, #tpu.memory_space<semaphore_mem>>
        %dma_start3A = arith.constant 0 : i32
        %dma_start3A_20 = arith.constant 0 : i32
        %dma_start3A_21 = tpu.memref_slice %arg8[%dma_start3A, %dma_start3A_20] : memref<10000x128xf32, #tpu.memory_space<vmem_shared>> -> memref<10000x128xf32, #tpu.memory_space<vmem_shared>>
        tpu.enqueue_indirect_dma source(%arg7 : memref<200x128xf32, #tpu.memory_space<vmem>>) target(%dma_start3A_21 : memref<10000x128xf32, #tpu.memory_space<vmem_shared>>) offsets(%arg6 : memref<200xi32, #tpu.memory_space<vmem>>) semaphore(%run_scoped3A : memref<!tpu.dma_semaphore, #tpu.memory_space<semaphore_mem>>) {add = true}
        %dma_wait3A = arith.constant 0 : i32
        %dma_wait3A_22 = arith.constant 0 : i32
        %dma_wait3A_23 = tpu.memref_slice %arg8[%dma_wait3A, %dma_wait3A_22] : memref<10000x128xf32, #tpu.memory_space<vmem_shared>> -> memref<10000x128xf32, #tpu.memory_space<vmem_shared>>
        tpu.wait_indirect_dma semaphore(%run_scoped3A : memref<!tpu.dma_semaphore, #tpu.memory_space<semaphore_mem>>) src(%arg7 : memref<200x128xf32, #tpu.memory_space<vmem>>) dst(%dma_wait3A_23 : memref<10000x128xf32, #tpu.memory_space<vmem_shared>>)
        tpu.yield
      }) : () -> ()
    }
    %scan3A_9 = arith.constant 25 : i32
    %barrier3A_10 = arith.constant 0 : index
    tpu.barrier barrier_id(%barrier3A_10)
    %eq3A_11 = arith.constant 0 : i32
    %eq3A_12 = arith.cmpi eq, %arg1, %eq3A_11 : i32
    %convert_element_type3A_13 = arith.extui %eq3A_12 : i1 to i32
    %cond3A_14 = arith.constant 0 : i32
    %cond3A_15 = arith.cmpi ne, %convert_element_type3A_13, %cond3A_14 : i32
    scf.if %cond3A_15 {
      "tpu.region"() ({
        %run_scoped3A = tpu.sem_alloc : memref<!tpu.dma_semaphore, #tpu.memory_space<semaphore_mem>>
        %dma_start3A = arith.constant 0 : i32
        %dma_start3A_16 = arith.constant 0 : i32
        %dma_start3A_17 = tpu.memref_slice %arg5[%arg0, %dma_start3A, %dma_start3A_16] : memref<2x10000x128xf32, #tpu.memory_space<hbm>> -> memref<1x10000x128xf32, #tpu.memory_space<hbm>>
        %dma_start3A_18 = tpu.memref_squeeze %dma_start3A_17 : memref<1x10000x128xf32, #tpu.memory_space<hbm>> -> memref<10000x128xf32, #tpu.memory_space<hbm>>
        tpu.enqueue_dma source(%arg8 : memref<10000x128xf32, #tpu.memory_space<vmem_shared>>) target(%dma_start3A_18 : memref<10000x128xf32, #tpu.memory_space<hbm>>) target_semaphore(%run_scoped3A : memref<!tpu.dma_semaphore, #tpu.memory_space<semaphore_mem>>)
        %dma_wait3A = arith.constant 0 : i32
        %dma_wait3A_19 = arith.constant 0 : i32
        %dma_wait3A_20 = tpu.memref_slice %arg5[%arg0, %dma_wait3A, %dma_wait3A_19] : memref<2x10000x128xf32, #tpu.memory_space<hbm>> -> memref<1x10000x128xf32, #tpu.memory_space<hbm>>
        %dma_wait3A_21 = tpu.memref_squeeze %dma_wait3A_20 : memref<1x10000x128xf32, #tpu.memory_space<hbm>> -> memref<10000x128xf32, #tpu.memory_space<hbm>>
        tpu.wait_dma2 semaphore(%run_scoped3A : memref<!tpu.dma_semaphore, #tpu.memory_space<semaphore_mem>>) src(%arg8 : memref<10000x128xf32, #tpu.memory_space<vmem_shared>>) dst(%dma_wait3A_21 : memref<10000x128xf32, #tpu.memory_space<hbm>>)
        tpu.yield
      }) : () -> ()
    } else {
    }
    return
  }
}

module attributes {stable_mosaic.version = 14 : i64} {
  func.func @_edge_body(%arg0: i32, %arg1: memref<640x128xi32, #tpu.memory_space<vmem>>, %arg2: memref<640x128xi32, #tpu.memory_space<vmem>>, %arg3: memref<640x16xf32, #tpu.memory_space<vmem>>, %arg4: memref<128x640xbf16, #tpu.memory_space<vmem>>, %arg5: memref<128x640xbf16, #tpu.memory_space<vmem>>, %arg6: memref<16x640xf32, #tpu.memory_space<vmem>>, %arg7: memref<1x640xf32, #tpu.memory_space<vmem>>, %arg8: memref<1x640xf32, #tpu.memory_space<vmem>>, %arg9: memref<640x16xf32, #tpu.memory_space<vmem>>, %arg10: memref<1x16xf32, #tpu.memory_space<vmem>>, %arg11: memref<16x64xf32, #tpu.memory_space<vmem>>, %arg12: memref<1x64xf32, #tpu.memory_space<vmem>>, %arg13: memref<1x64xf32, #tpu.memory_space<vmem>>, %arg14: memref<1x1xf32, #tpu.memory_space<vmem>>, %arg15: memref<640x128xf32, #tpu.memory_space<vmem>>) attributes {dimension_semantics = [#tpu.dimension_semantics<arbitrary>], iteration_bounds = array<i64: 250>, scalar_prefetch = 0 : i64, scratch_operands = 0 : i64, tpu.core_type = #tpu.core_type<tc>, window_params = [{transform_indices = @transform_0, window_bounds = array<i64: 640, 128>}, {transform_indices = @transform_1, window_bounds = array<i64: 640, 128>}, {transform_indices = @transform_2, window_bounds = array<i64: 640, 16>}, {pipeline_mode = #tpu.pipeline_mode<synchronous>, transform_indices = @transform_3, window_bounds = array<i64: 128, 640>}, {pipeline_mode = #tpu.pipeline_mode<synchronous>, transform_indices = @transform_4, window_bounds = array<i64: 128, 640>}, {pipeline_mode = #tpu.pipeline_mode<synchronous>, transform_indices = @transform_5, window_bounds = array<i64: 16, 640>}, {pipeline_mode = #tpu.pipeline_mode<synchronous>, transform_indices = @transform_6, window_bounds = array<i64: 1, 640>}, {pipeline_mode = #tpu.pipeline_mode<synchronous>, transform_indices = @transform_7, window_bounds = array<i64: 1, 640>}, {pipeline_mode = #tpu.pipeline_mode<synchronous>, transform_indices = @transform_8, window_bounds = array<i64: 640, 16>}, {pipeline_mode = #tpu.pipeline_mode<synchronous>, transform_indices = @transform_9, window_bounds = array<i64: 1, 16>}, {pipeline_mode = #tpu.pipeline_mode<synchronous>, transform_indices = @transform_10, window_bounds = array<i64: 16, 64>}, {pipeline_mode = #tpu.pipeline_mode<synchronous>, transform_indices = @transform_11, window_bounds = array<i64: 1, 64>}, {pipeline_mode = #tpu.pipeline_mode<synchronous>, transform_indices = @transform_12, window_bounds = array<i64: 1, 64>}, {pipeline_mode = #tpu.pipeline_mode<synchronous>, transform_indices = @transform_13, window_bounds = array<i64: 1, 1>}, {transform_indices = @transform_14, window_bounds = array<i64: 640, 128>}]} {
    %get3A = arith.constant 0 : index
    %get3A_0 = arith.constant 0 : index
    %get3A_1 = vector.load %arg1[%get3A, %get3A_0] : memref<640x128xi32, #tpu.memory_space<vmem>>, vector<640x128xi32>
    %get3A_2 = arith.constant 0 : index
    %get3A_3 = arith.constant 0 : index
    %get3A_4 = vector.load %arg2[%get3A_2, %get3A_3] : memref<640x128xi32, #tpu.memory_space<vmem>>, vector<640x128xi32>
    %slice3A = vector.extract_strided_slice %get3A_1 {offsets = [0, 0], sizes = [640, 64], strides = [1, 1]} : vector<640x128xi32> to vector<640x64xi32>
    %shift_left3A = arith.constant 16 : i32
    %shift_left3A_5 = vector.broadcast %shift_left3A : i32 to vector<640x64xi32>
    %shift_left3A_6 = arith.shli %slice3A, %shift_left3A_5 : vector<640x64xi32>
    %bitcast_convert_type3A = tpu.bitcast %shift_left3A_6 : vector<640x64xi32> -> vector<640x64xf32>
    %and3A = arith.constant -65536 : i32
    %and3A_7 = vector.broadcast %and3A : i32 to vector<640x64xi32>
    %and3A_8 = arith.andi %slice3A, %and3A_7 : vector<640x64xi32>
    %bitcast_convert_type3A_9 = tpu.bitcast %and3A_8 : vector<640x64xi32> -> vector<640x64xf32>
    %concatenate3A = tpu.concatenate %bitcast_convert_type3A, %bitcast_convert_type3A_9 in 1 : vector<640x64xf32>, vector<640x64xf32> -> vector<640x128xf32>
    %convert_element_type3A = arith.truncf %concatenate3A : vector<640x128xf32> to vector<640x128xbf16>
    %slice3A_10 = vector.extract_strided_slice %get3A_4 {offsets = [0, 0], sizes = [640, 64], strides = [1, 1]} : vector<640x128xi32> to vector<640x64xi32>
    %shift_left3A_11 = arith.constant 16 : i32
    %shift_left3A_12 = vector.broadcast %shift_left3A_11 : i32 to vector<640x64xi32>
    %shift_left3A_13 = arith.shli %slice3A_10, %shift_left3A_12 : vector<640x64xi32>
    %bitcast_convert_type3A_14 = tpu.bitcast %shift_left3A_13 : vector<640x64xi32> -> vector<640x64xf32>
    %and3A_15 = arith.constant -65536 : i32
    %and3A_16 = vector.broadcast %and3A_15 : i32 to vector<640x64xi32>
    %and3A_17 = arith.andi %slice3A_10, %and3A_16 : vector<640x64xi32>
    %bitcast_convert_type3A_18 = tpu.bitcast %and3A_17 : vector<640x64xi32> -> vector<640x64xf32>
    %concatenate3A_19 = tpu.concatenate %bitcast_convert_type3A_14, %bitcast_convert_type3A_18 in 1 : vector<640x64xf32>, vector<640x64xf32> -> vector<640x128xf32>
    %convert_element_type3A_20 = arith.truncf %concatenate3A_19 : vector<640x128xf32> to vector<640x128xbf16>
    %slice3A_21 = vector.extract_strided_slice %get3A_1 {offsets = [0, 64], sizes = [640, 16], strides = [1, 1]} : vector<640x128xi32> to vector<640x16xi32>
    %bitcast_convert_type3A_22 = tpu.bitcast %slice3A_21 : vector<640x16xi32> -> vector<640x16xf32>
    %slice3A_23 = vector.extract_strided_slice %get3A_4 {offsets = [0, 64], sizes = [640, 16], strides = [1, 1]} : vector<640x128xi32> to vector<640x16xi32>
    %bitcast_convert_type3A_24 = tpu.bitcast %slice3A_23 : vector<640x16xi32> -> vector<640x16xf32>
    %sub3A = arith.subf %bitcast_convert_type3A_22, %bitcast_convert_type3A_24 : vector<640x16xf32>
    %mul3A = arith.mulf %sub3A, %sub3A : vector<640x16xf32>
    %reduce_sum3A = arith.constant dense<0.000000e+00> : vector<640xf32>
    %reduce_sum3A_25 = vector.multi_reduction <add>, %mul3A, %reduce_sum3A [1] : vector<640x16xf32> to vector<640xf32>
    %broadcast_in_dim3A = vector.shape_cast %reduce_sum3A_25 : vector<640xf32> to vector<640x1xf32>
    %get3A_26 = arith.constant 0 : index
    %get3A_27 = arith.constant 0 : index
    %get3A_28 = vector.load %arg3[%get3A_26, %get3A_27] : memref<640x16xf32, #tpu.memory_space<vmem>>, vector<640x16xf32>
    %get3A_29 = arith.constant 0 : index
    %get3A_30 = arith.constant 0 : index
    %get3A_31 = vector.load %arg6[%get3A_29, %get3A_30] : memref<16x640xf32, #tpu.memory_space<vmem>>, vector<16x640xf32>
    %dot_general3A = arith.constant dense<0.000000e+00> : vector<640x640xf32>
    %dot_general3A_32 = tpu.matmul %get3A_28, %get3A_31, %dot_general3A {dimension_numbers = #tpu.dot_dimension_numbers<[1], [0], [0], [1], [0, 0, 1, 1], [], []>, transpose_lhs_hint = false} : vector<640x16xf32>, vector<16x640xf32>, vector<640x640xf32> -> vector<640x640xf32>
    %get3A_33 = arith.constant 0 : index
    %get3A_34 = arith.constant 0 : index
    %get3A_35 = vector.load %arg7[%get3A_33, %get3A_34] : memref<1x640xf32, #tpu.memory_space<vmem>>, vector<1x640xf32>
    %mul3A_36 = vector.broadcast %broadcast_in_dim3A : vector<640x1xf32> to vector<640x640xf32>
    %mul3A_37 = vector.broadcast %get3A_35 : vector<1x640xf32> to vector<640x640xf32>
    %mul3A_38 = arith.mulf %mul3A_36, %mul3A_37 : vector<640x640xf32>
    %add3A = arith.addf %dot_general3A_32, %mul3A_38 : vector<640x640xf32>
    %get3A_39 = arith.constant 0 : index
    %get3A_40 = arith.constant 0 : index
    %get3A_41 = vector.load %arg8[%get3A_39, %get3A_40] : memref<1x640xf32, #tpu.memory_space<vmem>>, vector<1x640xf32>
    %add3A_42 = vector.broadcast %get3A_41 : vector<1x640xf32> to vector<640x640xf32>
    %add3A_43 = arith.addf %add3A, %add3A_42 : vector<640x640xf32>
    %get3A_44 = arith.constant 0 : index
    %get3A_45 = arith.constant 0 : index
    %get3A_46 = vector.load %arg4[%get3A_44, %get3A_45] : memref<128x640xbf16, #tpu.memory_space<vmem>>, vector<128x640xbf16>
    %get3A_47 = arith.constant 0 : index
    %get3A_48 = arith.constant 0 : index
    %get3A_49 = vector.load %arg5[%get3A_47, %get3A_48] : memref<128x640xbf16, #tpu.memory_space<vmem>>, vector<128x640xbf16>
    %dot_general3A_50 = arith.constant dense<0.000000e+00> : vector<640x640xf32>
    %dot_general3A_51 = tpu.matmul %convert_element_type3A, %get3A_46, %dot_general3A_50 {dimension_numbers = #tpu.dot_dimension_numbers<[1], [0], [0], [1], [0, 0, 1, 1], [], []>, transpose_lhs_hint = false} : vector<640x128xbf16>, vector<128x640xbf16>, vector<640x640xf32> -> vector<640x640xf32>
    %dot_general3A_52 = arith.constant dense<0.000000e+00> : vector<640x640xf32>
    %dot_general3A_53 = tpu.matmul %convert_element_type3A, %get3A_49, %dot_general3A_52 {dimension_numbers = #tpu.dot_dimension_numbers<[1], [0], [0], [1], [0, 0, 1, 1], [], []>, transpose_lhs_hint = false} : vector<640x128xbf16>, vector<128x640xbf16>, vector<640x640xf32> -> vector<640x640xf32>
    %dot_general3A_54 = arith.constant dense<0.000000e+00> : vector<640x640xf32>
    %dot_general3A_55 = tpu.matmul %convert_element_type3A_20, %get3A_46, %dot_general3A_54 {dimension_numbers = #tpu.dot_dimension_numbers<[1], [0], [0], [1], [0, 0, 1, 1], [], []>, transpose_lhs_hint = false} : vector<640x128xbf16>, vector<128x640xbf16>, vector<640x640xf32> -> vector<640x640xf32>
    %dot_general3A_56 = arith.constant dense<0.000000e+00> : vector<640x640xf32>
    %dot_general3A_57 = tpu.matmul %convert_element_type3A_20, %get3A_49, %dot_general3A_56 {dimension_numbers = #tpu.dot_dimension_numbers<[1], [0], [0], [1], [0, 0, 1, 1], [], []>, transpose_lhs_hint = false} : vector<640x128xbf16>, vector<128x640xbf16>, vector<640x640xf32> -> vector<640x640xf32>
    %add3A_58 = arith.addf %dot_general3A_51, %dot_general3A_57 : vector<640x640xf32>
    %add3A_59 = arith.addf %add3A_58, %add3A_43 : vector<640x640xf32>
    %logistic3A = arith.negf %add3A_59 : vector<640x640xf32>
    %logistic3A_60 = math.exp %logistic3A : vector<640x640xf32>
    %logistic3A_61 = arith.constant 1.000000e+00 : f32
    %logistic3A_62 = vector.broadcast %logistic3A_61 : f32 to vector<640x640xf32>
    %logistic3A_63 = arith.addf %logistic3A_62, %logistic3A_60 : vector<640x640xf32>
    %logistic3A_64 = arith.divf %logistic3A_62, %logistic3A_63 : vector<640x640xf32>
    %mul3A_65 = arith.mulf %add3A_59, %logistic3A_64 : vector<640x640xf32>
    %add3A_66 = arith.addf %dot_general3A_55, %dot_general3A_53 : vector<640x640xf32>
    %add3A_67 = arith.addf %add3A_66, %add3A_43 : vector<640x640xf32>
    %logistic3A_68 = arith.negf %add3A_67 : vector<640x640xf32>
    %logistic3A_69 = math.exp %logistic3A_68 : vector<640x640xf32>
    %logistic3A_70 = arith.constant 1.000000e+00 : f32
    %logistic3A_71 = vector.broadcast %logistic3A_70 : f32 to vector<640x640xf32>
    %logistic3A_72 = arith.addf %logistic3A_71, %logistic3A_69 : vector<640x640xf32>
    %logistic3A_73 = arith.divf %logistic3A_71, %logistic3A_72 : vector<640x640xf32>
    %mul3A_74 = arith.mulf %add3A_67, %logistic3A_73 : vector<640x640xf32>
    %get3A_75 = arith.constant 0 : index
    %get3A_76 = arith.constant 0 : index
    %get3A_77 = vector.load %arg9[%get3A_75, %get3A_76] : memref<640x16xf32, #tpu.memory_space<vmem>>, vector<640x16xf32>
    %dot_general3A_78 = arith.constant dense<0.000000e+00> : vector<640x16xf32>
    %dot_general3A_79 = tpu.matmul %mul3A_65, %get3A_77, %dot_general3A_78 {dimension_numbers = #tpu.dot_dimension_numbers<[1], [0], [0], [1], [0, 0, 1, 1], [], []>, transpose_lhs_hint = false} : vector<640x640xf32>, vector<640x16xf32>, vector<640x16xf32> -> vector<640x16xf32>
    %get3A_80 = arith.constant 0 : index
    %get3A_81 = arith.constant 0 : index
    %get3A_82 = vector.load %arg10[%get3A_80, %get3A_81] : memref<1x16xf32, #tpu.memory_space<vmem>>, vector<1x16xf32>
    %add3A_83 = vector.broadcast %get3A_82 : vector<1x16xf32> to vector<640x16xf32>
    %add3A_84 = arith.addf %dot_general3A_79, %add3A_83 : vector<640x16xf32>
    %logistic3A_85 = arith.negf %add3A_84 : vector<640x16xf32>
    %logistic3A_86 = math.exp %logistic3A_85 : vector<640x16xf32>
    %logistic3A_87 = arith.constant 1.000000e+00 : f32
    %logistic3A_88 = vector.broadcast %logistic3A_87 : f32 to vector<640x16xf32>
    %logistic3A_89 = arith.addf %logistic3A_88, %logistic3A_86 : vector<640x16xf32>
    %logistic3A_90 = arith.divf %logistic3A_88, %logistic3A_89 : vector<640x16xf32>
    %mul3A_91 = arith.mulf %add3A_84, %logistic3A_90 : vector<640x16xf32>
    %dot_general3A_92 = arith.constant dense<0.000000e+00> : vector<640x16xf32>
    %dot_general3A_93 = tpu.matmul %mul3A_74, %get3A_77, %dot_general3A_92 {dimension_numbers = #tpu.dot_dimension_numbers<[1], [0], [0], [1], [0, 0, 1, 1], [], []>, transpose_lhs_hint = false} : vector<640x640xf32>, vector<640x16xf32>, vector<640x16xf32> -> vector<640x16xf32>
    %get3A_94 = arith.constant 0 : index
    %get3A_95 = arith.constant 0 : index
    %get3A_96 = vector.load %arg10[%get3A_94, %get3A_95] : memref<1x16xf32, #tpu.memory_space<vmem>>, vector<1x16xf32>
    %add3A_97 = vector.broadcast %get3A_96 : vector<1x16xf32> to vector<640x16xf32>
    %add3A_98 = arith.addf %dot_general3A_93, %add3A_97 : vector<640x16xf32>
    %logistic3A_99 = arith.negf %add3A_98 : vector<640x16xf32>
    %logistic3A_100 = math.exp %logistic3A_99 : vector<640x16xf32>
    %logistic3A_101 = arith.constant 1.000000e+00 : f32
    %logistic3A_102 = vector.broadcast %logistic3A_101 : f32 to vector<640x16xf32>
    %logistic3A_103 = arith.addf %logistic3A_102, %logistic3A_100 : vector<640x16xf32>
    %logistic3A_104 = arith.divf %logistic3A_102, %logistic3A_103 : vector<640x16xf32>
    %mul3A_105 = arith.mulf %add3A_98, %logistic3A_104 : vector<640x16xf32>
    %get3A_106 = arith.constant 0 : index
    %get3A_107 = arith.constant 0 : index
    %get3A_108 = vector.load %arg11[%get3A_106, %get3A_107] : memref<16x64xf32, #tpu.memory_space<vmem>>, vector<16x64xf32>
    %dot_general3A_109 = arith.constant dense<0.000000e+00> : vector<640x64xf32>
    %dot_general3A_110 = tpu.matmul %mul3A_91, %get3A_108, %dot_general3A_109 {dimension_numbers = #tpu.dot_dimension_numbers<[1], [0], [0], [1], [0, 0, 1, 1], [], []>, transpose_lhs_hint = false} : vector<640x16xf32>, vector<16x64xf32>, vector<640x64xf32> -> vector<640x64xf32>
    %get3A_111 = arith.constant 0 : index
    %get3A_112 = arith.constant 0 : index
    %get3A_113 = vector.load %arg12[%get3A_111, %get3A_112] : memref<1x64xf32, #tpu.memory_space<vmem>>, vector<1x64xf32>
    %add3A_114 = vector.broadcast %get3A_113 : vector<1x64xf32> to vector<640x64xf32>
    %add3A_115 = arith.addf %dot_general3A_110, %add3A_114 : vector<640x64xf32>
    %logistic3A_116 = arith.negf %add3A_115 : vector<640x64xf32>
    %logistic3A_117 = math.exp %logistic3A_116 : vector<640x64xf32>
    %logistic3A_118 = arith.constant 1.000000e+00 : f32
    %logistic3A_119 = vector.broadcast %logistic3A_118 : f32 to vector<640x64xf32>
    %logistic3A_120 = arith.addf %logistic3A_119, %logistic3A_117 : vector<640x64xf32>
    %logistic3A_121 = arith.divf %logistic3A_119, %logistic3A_120 : vector<640x64xf32>
    %mul3A_122 = arith.mulf %add3A_115, %logistic3A_121 : vector<640x64xf32>
    %get3A_123 = arith.constant 0 : index
    %get3A_124 = arith.constant 0 : index
    %get3A_125 = vector.load %arg13[%get3A_123, %get3A_124] : memref<1x64xf32, #tpu.memory_space<vmem>>, vector<1x64xf32>
    %mul3A_126 = vector.broadcast %get3A_125 : vector<1x64xf32> to vector<640x64xf32>
    %mul3A_127 = arith.mulf %mul3A_122, %mul3A_126 : vector<640x64xf32>
    %reduce_sum3A_128 = arith.constant dense<0.000000e+00> : vector<640xf32>
    %reduce_sum3A_129 = vector.multi_reduction <add>, %mul3A_127, %reduce_sum3A_128 [1] : vector<640x64xf32> to vector<640xf32>
    %broadcast_in_dim3A_130 = vector.shape_cast %reduce_sum3A_129 : vector<640xf32> to vector<640x1xf32>
    %get3A_131 = arith.constant 0 : index
    %get3A_132 = arith.constant 0 : index
    %get3A_133 = vector.load %arg14[%get3A_131, %get3A_132] : memref<1x1xf32, #tpu.memory_space<vmem>>, vector<1x1xf32>
    %add3A_134 = vector.broadcast %get3A_133 : vector<1x1xf32> to vector<640x1xf32>
    %add3A_135 = arith.addf %broadcast_in_dim3A_130, %add3A_134 : vector<640x1xf32>
    %mul3A_136 = vector.broadcast %add3A_135 : vector<640x1xf32> to vector<640x16xf32>
    %mul3A_137 = arith.mulf %mul3A_136, %sub3A : vector<640x16xf32>
    %broadcast_in_dim3A_138 = arith.constant 0.000000e+00 : f32
    %broadcast_in_dim3A_139 = vector.broadcast %broadcast_in_dim3A_138 : f32 to vector<640x96xf32>
    %concatenate3A_140 = tpu.concatenate %mul3A_105, %mul3A_137, %broadcast_in_dim3A_139 in 1 : vector<640x16xf32>, vector<640x16xf32>, vector<640x96xf32> -> vector<640x128xf32>
    %swap3A = arith.constant 0 : index
    %swap3A_141 = arith.constant 0 : index
    %swap3A_142 = vector.load %arg15[%swap3A, %swap3A_141] : memref<640x128xf32, #tpu.memory_space<vmem>>, vector<640x128xf32>
    tpu.vector_store %arg15[%swap3A, %swap3A_141], %concatenate3A_140 {strides = array<i32>} : memref<640x128xf32, #tpu.memory_space<vmem>>, vector<640x128xf32>,
    return
  }
  func.func @transform_0(%arg0: i32) -> (i32, i32) {
    %c0_i32 = arith.constant 0 : i32
    %c0_i32_0 = arith.constant 0 : i32
    return %arg0, %c0_i32 : i32, i32
  }
  func.func @transform_1(%arg0: i32) -> (i32, i32) {
    %c0_i32 = arith.constant 0 : i32
    %c0_i32_0 = arith.constant 0 : i32
    return %arg0, %c0_i32 : i32, i32
  }
  func.func @transform_2(%arg0: i32) -> (i32, i32) {
    %c0_i32 = arith.constant 0 : i32
    %c0_i32_0 = arith.constant 0 : i32
    return %arg0, %c0_i32 : i32, i32
  }
  func.func @transform_3(%arg0: i32) -> (i32, i32) {
    %c0_i32 = arith.constant 0 : i32
    %c0_i32_0 = arith.constant 0 : i32
    %c0_i32_1 = arith.constant 0 : i32
    return %c0_i32, %c0_i32_0 : i32, i32
  }
  func.func @transform_4(%arg0: i32) -> (i32, i32) {
    %c0_i32 = arith.constant 0 : i32
    %c0_i32_0 = arith.constant 0 : i32
    %c0_i32_1 = arith.constant 0 : i32
    return %c0_i32, %c0_i32_0 : i32, i32
  }
  func.func @transform_5(%arg0: i32) -> (i32, i32) {
    %c0_i32 = arith.constant 0 : i32
    %c0_i32_0 = arith.constant 0 : i32
    %c0_i32_1 = arith.constant 0 : i32
    return %c0_i32, %c0_i32_0 : i32, i32
  }
  func.func @transform_6(%arg0: i32) -> (i32, i32) {
    %c0_i32 = arith.constant 0 : i32
    %c0_i32_0 = arith.constant 0 : i32
    %c0_i32_1 = arith.constant 0 : i32
    return %c0_i32, %c0_i32_0 : i32, i32
  }
  func.func @transform_7(%arg0: i32) -> (i32, i32) {
    %c0_i32 = arith.constant 0 : i32
    %c0_i32_0 = arith.constant 0 : i32
    %c0_i32_1 = arith.constant 0 : i32
    return %c0_i32, %c0_i32_0 : i32, i32
  }
  func.func @transform_8(%arg0: i32) -> (i32, i32) {
    %c0_i32 = arith.constant 0 : i32
    %c0_i32_0 = arith.constant 0 : i32
    %c0_i32_1 = arith.constant 0 : i32
    return %c0_i32, %c0_i32_0 : i32, i32
  }
  func.func @transform_9(%arg0: i32) -> (i32, i32) {
    %c0_i32 = arith.constant 0 : i32
    %c0_i32_0 = arith.constant 0 : i32
    %c0_i32_1 = arith.constant 0 : i32
    return %c0_i32, %c0_i32_0 : i32, i32
  }
  func.func @transform_10(%arg0: i32) -> (i32, i32) {
    %c0_i32 = arith.constant 0 : i32
    %c0_i32_0 = arith.constant 0 : i32
    %c0_i32_1 = arith.constant 0 : i32
    return %c0_i32, %c0_i32_0 : i32, i32
  }
  func.func @transform_11(%arg0: i32) -> (i32, i32) {
    %c0_i32 = arith.constant 0 : i32
    %c0_i32_0 = arith.constant 0 : i32
    %c0_i32_1 = arith.constant 0 : i32
    return %c0_i32, %c0_i32_0 : i32, i32
  }
  func.func @transform_12(%arg0: i32) -> (i32, i32) {
    %c0_i32 = arith.constant 0 : i32
    %c0_i32_0 = arith.constant 0 : i32
    %c0_i32_1 = arith.constant 0 : i32
    return %c0_i32, %c0_i32_0 : i32, i32
  }
  func.func @transform_13(%arg0: i32) -> (i32, i32) {
    %c0_i32 = arith.constant 0 : i32
    %c0_i32_0 = arith.constant 0 : i32
    %c0_i32_1 = arith.constant 0 : i32
    return %c0_i32, %c0_i32_0 : i32, i32
  }
  func.func @transform_14(%arg0: i32) -> (i32, i32) {
    %c0_i32 = arith.constant 0 : i32
    %c0_i32_0 = arith.constant 0 : i32
    return %arg0, %c0_i32 : i32, i32
  }
}

module attributes {stable_mosaic.version = 14 : i64} {
  func.func @_node_body(%arg0: i32, %arg1: memref<2000x128xf32, #tpu.memory_space<vmem>>, %arg2: memref<2000x16xf32, #tpu.memory_space<vmem>>, %arg3: memref<2000x128xf32, #tpu.memory_space<vmem>>, %arg4: memref<2000x128xf32, #tpu.memory_space<vmem>>, %arg5: memref<2000x128xf32, #tpu.memory_space<vmem>>, %arg6: memref<2000x128xf32, #tpu.memory_space<vmem>>, %arg7: memref<128x256xf32, #tpu.memory_space<vmem>>, %arg8: memref<16x256xf32, #tpu.memory_space<vmem>>, %arg9: memref<1x256xf32, #tpu.memory_space<vmem>>, %arg10: memref<256x128xf32, #tpu.memory_space<vmem>>, %arg11: memref<1x128xf32, #tpu.memory_space<vmem>>, %arg12: memref<2000x16xf32, #tpu.memory_space<vmem>>, %arg13: memref<2000x128xf32, #tpu.memory_space<vmem>>) attributes {dimension_semantics = [#tpu.dimension_semantics<arbitrary>], iteration_bounds = array<i64: 5>, scalar_prefetch = 0 : i64, scratch_operands = 0 : i64, tpu.core_type = #tpu.core_type<tc>, window_params = [{transform_indices = @transform_0, window_bounds = array<i64: 2000, 128>}, {transform_indices = @transform_1, window_bounds = array<i64: 2000, 16>}, {transform_indices = @transform_2, window_bounds = array<i64: 2000, 128>}, {transform_indices = @transform_3, window_bounds = array<i64: 2000, 128>}, {transform_indices = @transform_4, window_bounds = array<i64: 2000, 128>}, {transform_indices = @transform_5, window_bounds = array<i64: 2000, 128>}, {pipeline_mode = #tpu.pipeline_mode<synchronous>, transform_indices = @transform_6, window_bounds = array<i64: 128, 256>}, {pipeline_mode = #tpu.pipeline_mode<synchronous>, transform_indices = @transform_7, window_bounds = array<i64: 16, 256>}, {pipeline_mode = #tpu.pipeline_mode<synchronous>, transform_indices = @transform_8, window_bounds = array<i64: 1, 256>}, {pipeline_mode = #tpu.pipeline_mode<synchronous>, transform_indices = @transform_9, window_bounds = array<i64: 256, 128>}, {pipeline_mode = #tpu.pipeline_mode<synchronous>, transform_indices = @transform_10, window_bounds = array<i64: 1, 128>}, {transform_indices = @transform_11, window_bounds = array<i64: 2000, 16>}, {transform_indices = @transform_12, window_bounds = array<i64: 2000, 128>}]} {
    %get3A = arith.constant 0 : index
    %get3A_0 = arith.constant 0 : index
    %get3A_1 = vector.load %arg1[%get3A, %get3A_0] : memref<2000x128xf32, #tpu.memory_space<vmem>>, vector<2000x128xf32>
    %get3A_2 = arith.constant 0 : index
    %get3A_3 = arith.constant 0 : index
    %get3A_4 = vector.load %arg3[%get3A_2, %get3A_3] : memref<2000x128xf32, #tpu.memory_space<vmem>>, vector<2000x128xf32>
    %get3A_5 = arith.constant 0 : index
    %get3A_6 = arith.constant 0 : index
    %get3A_7 = vector.load %arg4[%get3A_5, %get3A_6] : memref<2000x128xf32, #tpu.memory_space<vmem>>, vector<2000x128xf32>
    %add3A = arith.addf %get3A_4, %get3A_7 : vector<2000x128xf32>
    %get3A_8 = arith.constant 0 : index
    %get3A_9 = arith.constant 0 : index
    %get3A_10 = vector.load %arg5[%get3A_8, %get3A_9] : memref<2000x128xf32, #tpu.memory_space<vmem>>, vector<2000x128xf32>
    %add3A_11 = arith.addf %add3A, %get3A_10 : vector<2000x128xf32>
    %get3A_12 = arith.constant 0 : index
    %get3A_13 = arith.constant 0 : index
    %get3A_14 = vector.load %arg6[%get3A_12, %get3A_13] : memref<2000x128xf32, #tpu.memory_space<vmem>>, vector<2000x128xf32>
    %add3A_15 = arith.addf %add3A_11, %get3A_14 : vector<2000x128xf32>
    %slice3A = vector.extract_strided_slice %add3A_15 {offsets = [0, 0], sizes = [2000, 16], strides = [1, 1]} : vector<2000x128xf32> to vector<2000x16xf32>
    %get3A_16 = arith.constant 0 : index
    %get3A_17 = arith.constant 0 : index
    %get3A_18 = vector.load %arg7[%get3A_16, %get3A_17] : memref<128x256xf32, #tpu.memory_space<vmem>>, vector<128x256xf32>
    %dot_general3A = arith.constant dense<0.000000e+00> : vector<2000x256xf32>
    %dot_general3A_19 = tpu.matmul %get3A_1, %get3A_18, %dot_general3A {dimension_numbers = #tpu.dot_dimension_numbers<[1], [0], [0], [1], [0, 0, 1, 1], [], []>, transpose_lhs_hint = false} : vector<2000x128xf32>, vector<128x256xf32>, vector<2000x256xf32> -> vector<2000x256xf32>
    %get3A_20 = arith.constant 0 : index
    %get3A_21 = arith.constant 0 : index
    %get3A_22 = vector.load %arg8[%get3A_20, %get3A_21] : memref<16x256xf32, #tpu.memory_space<vmem>>, vector<16x256xf32>
    %dot_general3A_23 = arith.constant dense<0.000000e+00> : vector<2000x256xf32>
    %dot_general3A_24 = tpu.matmul %slice3A, %get3A_22, %dot_general3A_23 {dimension_numbers = #tpu.dot_dimension_numbers<[1], [0], [0], [1], [0, 0, 1, 1], [], []>, transpose_lhs_hint = false} : vector<2000x16xf32>, vector<16x256xf32>, vector<2000x256xf32> -> vector<2000x256xf32>
    %add3A_25 = arith.addf %dot_general3A_19, %dot_general3A_24 : vector<2000x256xf32>
    %get3A_26 = arith.constant 0 : index
    %get3A_27 = arith.constant 0 : index
    %get3A_28 = vector.load %arg9[%get3A_26, %get3A_27] : memref<1x256xf32, #tpu.memory_space<vmem>>, vector<1x256xf32>
    %add3A_29 = vector.broadcast %get3A_28 : vector<1x256xf32> to vector<2000x256xf32>
    %add3A_30 = arith.addf %add3A_25, %add3A_29 : vector<2000x256xf32>
    %logistic3A = arith.negf %add3A_30 : vector<2000x256xf32>
    %logistic3A_31 = math.exp %logistic3A : vector<2000x256xf32>
    %logistic3A_32 = arith.constant 1.000000e+00 : f32
    %logistic3A_33 = vector.broadcast %logistic3A_32 : f32 to vector<2000x256xf32>
    %logistic3A_34 = arith.addf %logistic3A_33, %logistic3A_31 : vector<2000x256xf32>
    %logistic3A_35 = arith.divf %logistic3A_33, %logistic3A_34 : vector<2000x256xf32>
    %mul3A = arith.mulf %add3A_30, %logistic3A_35 : vector<2000x256xf32>
    %get3A_36 = arith.constant 0 : index
    %get3A_37 = arith.constant 0 : index
    %get3A_38 = vector.load %arg10[%get3A_36, %get3A_37] : memref<256x128xf32, #tpu.memory_space<vmem>>, vector<256x128xf32>
    %dot_general3A_39 = arith.constant dense<0.000000e+00> : vector<2000x128xf32>
    %dot_general3A_40 = tpu.matmul %mul3A, %get3A_38, %dot_general3A_39 {dimension_numbers = #tpu.dot_dimension_numbers<[1], [0], [0], [1], [0, 0, 1, 1], [], []>, transpose_lhs_hint = false} : vector<2000x256xf32>, vector<256x128xf32>, vector<2000x128xf32> -> vector<2000x128xf32>
    %get3A_41 = arith.constant 0 : index
    %get3A_42 = arith.constant 0 : index
    %get3A_43 = vector.load %arg11[%get3A_41, %get3A_42] : memref<1x128xf32, #tpu.memory_space<vmem>>, vector<1x128xf32>
    %add3A_44 = vector.broadcast %get3A_43 : vector<1x128xf32> to vector<2000x128xf32>
    %add3A_45 = arith.addf %dot_general3A_40, %add3A_44 : vector<2000x128xf32>
    %add3A_46 = arith.addf %get3A_1, %add3A_45 : vector<2000x128xf32>
    %swap3A = arith.constant 0 : index
    %swap3A_47 = arith.constant 0 : index
    %swap3A_48 = vector.load %arg13[%swap3A, %swap3A_47] : memref<2000x128xf32, #tpu.memory_space<vmem>>, vector<2000x128xf32>
    tpu.vector_store %arg13[%swap3A, %swap3A_47], %add3A_46 {strides = array<i32>} : memref<2000x128xf32, #tpu.memory_space<vmem>>, vector<2000x128xf32>,
    %get3A_49 = arith.constant 0 : index
    %get3A_50 = arith.constant 0 : index
    %get3A_51 = vector.load %arg2[%get3A_49, %get3A_50] : memref<2000x16xf32, #tpu.memory_space<vmem>>, vector<2000x16xf32>
    %slice3A_52 = vector.extract_strided_slice %add3A_15 {offsets = [0, 16], sizes = [2000, 16], strides = [1, 1]} : vector<2000x128xf32> to vector<2000x16xf32>
    %add3A_53 = arith.addf %get3A_51, %slice3A_52 : vector<2000x16xf32>
    %swap3A_54 = arith.constant 0 : index
    %swap3A_55 = arith.constant 0 : index
    %swap3A_56 = vector.load %arg12[%swap3A_54, %swap3A_55] : memref<2000x16xf32, #tpu.memory_space<vmem>>, vector<2000x16xf32>
    tpu.vector_store %arg12[%swap3A_54, %swap3A_55], %add3A_53 {strides = array<i32>} : memref<2000x16xf32, #tpu.memory_space<vmem>>, vector<2000x16xf32>,
    return
  }
  func.func @transform_0(%arg0: i32) -> (i32, i32) {
    %c0_i32 = arith.constant 0 : i32
    %c0_i32_0 = arith.constant 0 : i32
    return %arg0, %c0_i32 : i32, i32
  }
  func.func @transform_1(%arg0: i32) -> (i32, i32) {
    %c0_i32 = arith.constant 0 : i32
    %c0_i32_0 = arith.constant 0 : i32
    return %arg0, %c0_i32 : i32, i32
  }
  func.func @transform_2(%arg0: i32) -> (i32, i32) {
    %c0_i32 = arith.constant 0 : i32
    %c0_i32_0 = arith.constant 0 : i32
    return %arg0, %c0_i32 : i32, i32
  }
  func.func @transform_3(%arg0: i32) -> (i32, i32) {
    %c0_i32 = arith.constant 0 : i32
    %c0_i32_0 = arith.constant 0 : i32
    return %arg0, %c0_i32 : i32, i32
  }
  func.func @transform_4(%arg0: i32) -> (i32, i32) {
    %c0_i32 = arith.constant 0 : i32
    %c0_i32_0 = arith.constant 0 : i32
    return %arg0, %c0_i32 : i32, i32
  }
  func.func @transform_5(%arg0: i32) -> (i32, i32) {
    %c0_i32 = arith.constant 0 : i32
    %c0_i32_0 = arith.constant 0 : i32
    return %arg0, %c0_i32 : i32, i32
  }
  func.func @transform_6(%arg0: i32) -> (i32, i32) {
    %c0_i32 = arith.constant 0 : i32
    %c0_i32_0 = arith.constant 0 : i32
    %c0_i32_1 = arith.constant 0 : i32
    return %c0_i32, %c0_i32_0 : i32, i32
  }
  func.func @transform_7(%arg0: i32) -> (i32, i32) {
    %c0_i32 = arith.constant 0 : i32
    %c0_i32_0 = arith.constant 0 : i32
    %c0_i32_1 = arith.constant 0 : i32
    return %c0_i32, %c0_i32_0 : i32, i32
  }
  func.func @transform_8(%arg0: i32) -> (i32, i32) {
    %c0_i32 = arith.constant 0 : i32
    %c0_i32_0 = arith.constant 0 : i32
    %c0_i32_1 = arith.constant 0 : i32
    return %c0_i32, %c0_i32_0 : i32, i32
  }
  func.func @transform_9(%arg0: i32) -> (i32, i32) {
    %c0_i32 = arith.constant 0 : i32
    %c0_i32_0 = arith.constant 0 : i32
    %c0_i32_1 = arith.constant 0 : i32
    return %c0_i32, %c0_i32_0 : i32, i32
  }
  func.func @transform_10(%arg0: i32) -> (i32, i32) {
    %c0_i32 = arith.constant 0 : i32
    %c0_i32_0 = arith.constant 0 : i32
    %c0_i32_1 = arith.constant 0 : i32
    return %c0_i32, %c0_i32_0 : i32, i32
  }
  func.func @transform_11(%arg0: i32) -> (i32, i32) {
    %c0_i32 = arith.constant 0 : i32
    %c0_i32_0 = arith.constant 0 : i32
    return %arg0, %c0_i32 : i32, i32
  }
  func.func @transform_12(%arg0: i32) -> (i32, i32) {
    %c0_i32 = arith.constant 0 : i32
    %c0_i32_0 = arith.constant 0 : i32
    return %arg0, %c0_i32 : i32, i32
  }
}

</mosaic_0001>

<sc_bundles>
// kernel: kernel.12.cloned.1.call-start
scs
__scs_entry_jumppad:
0x0: {  	(pc) =	sbr.rel $0x88, $3  }
0x1: {  	(tag) =	ssettag $0x0;
	lr =	simm.s32 $0x1  }
0x2: {  	[smem:$0x3F92] =	sst lr;
	_ =	strace $0xD0000000  }
0x3: {  	_ = 	snop  }
0x4: {  	_ = 	snop  }
0x5: {  	_ = 	snop  }
0x6: {  	_ = 	snop  }
0x7: {  	_ = 	snop  }
__scs_overlays_trampoline_lowered:
0x8: {  	[smem:$0x3FA1] =	sst s0  }
0x9: {  	[smem:$0x3FA2] =	sst s1  }
0xa: {  	[smem:$0x3FA3] =	sst s2  }
0xb: {  	[smem:$0x3FA4] =	sst s3  }
0xc: {  	[smem:$0x3FA5] =	sst s4  }
0xd: {  	[smem:$0x3FA6] =	sst s5  }
0xe: {  	[smem:$0x3FA7] =	sst s6  }
0xf: {  	[smem:$0x3FA8] =	sst s7  }
0x10: {  	[smem:$0x3FA9] =	sst s8  }
0x11: {  	[smem:$0x3FAA] =	sst s9;
	s0 =	simm.s32 @!p0 $0x0  }
0x12: {  	s1 =	sld [smem:$0x3F90];
	s0 =	simm.s32 @p0 $0x1  }
0x13: {  	[smem:$0x3FAB] =	sst s0;
	s0 =	simm.s32 @!p1 $0x0  }
0x14: {  	s2 =	sld [smem:$0x3F8F];
	s0 =	simm.s32 @p1 $0x1  }
0x15: {  	[smem:$0x3FAC] =	sst s0;
	s0 =	simm.s32 @!p2 $0x0  }
0x16: {  	s3 =	sld [smem:$0x3FDB];
	s0 =	simm.s32 @p2 $0x1  }
0x17: {  	s4 =	simm.s32 $0x1BF5;
	[smem:$0x3FAE] =	sst s0  }
0x18: {  	s0 =	sld [smem:$0x3F91];
	_ =	swait.ge [sflag:s4], $0x0  }
0x19: {  	s7 =	sld [smem:$0x3F92]  }
0x1a: {  	s8 =	sadd.s32 $0xFFFFE003, lr  }
0x1b: {  	s9 =	sadd.s32 $0xFFFFFEF7, lr;
	s5 =	simm.s32 $0xFFFFFFFF;
	p2 =	slt.u32 s8, $0xFFFFF086  }
0x1c: {  	p1 =	slt.u32 s9, $0xF7A;
	s5 =	simm.s32 @!p2 $0x0  }
0x1d: {  	s5 =	simm.s32 @p1 $0x1;
	p0 =	seq.s32 s7, s2  }
0x1e: {  	s7 =	smul.u32 @!p0 $0xF7A, s2;
	p2 =	seq.s32 @!p0 s5, $0x0  }
0x1f: {  	s9 =	smul.u32 $0xF7A, s1;
	s8 =	simm.s32 @!p0 $0x1BF5;
	p2 =	por !p2, p0  }
0x20: {  	[sflag:s8] =	ssyncset.s32 @!p0 $0xFFFFF086;
	s6 =	sadd.s32 @!p0 s3, s7;
	s7 =	simm.s32 @!p0 $0x108  }
0x21: {  	s3 =	sadd.s32 s3, s9;
	s6 =	sadd.s32 @!p0 $0x88, s6;
	s7 =	simm.s32 @p2 $0x1082  }
0x22: {  	[simem:s7], [sflag:s8] =	dma.local @!p0 [hbm:s6], $0xF7A  }
0x23: {  	s9 =	sor.u32 $0xD0000000, s2;
	s6 =	simm.s32 $0x108;
	_ =	swait.ge @!p0 [sflag:s8], $0x0  }
0x24: {  	s3 =	sadd.s32 $0x88, s3;
	s6 =	simm.s32 @!p1 $0x1082;
	[sflag:s4] =	ssyncset.s32 $0xFFFFF086  }
0x25: {  	[simem:s6], [sflag:s4] =	dma.local [hbm:s3], $0xF7A  }
0x26: {  	[smem:$0x3F92] =	sst s1;
	(tag) =	ssettag s2;
	_ =	strace s9  }
0x27: {  	s1 =	sld [smem:$0x3FA2]  }
0x28: {  	s2 =	sld [smem:$0x3FA3]  }
0x29: {  	s4 =	sld [smem:$0x3FA5]  }
0x2a: {  	p0 =	seq.s32 s5, $0x0;
	s5 =	sld [smem:$0x3FA6]  }
0x2b: {  	s6 =	sld [smem:$0x3FA7]  }
0x2c: {  	s7 =	sld [smem:$0x3FA8]  }
0x2d: {  	s3 =	simm.s32 $0x108;
	s8 =	sld [smem:$0x3FA9]  }
0x2e: {  	s3 =	simm.s32 @!p0 $0x1082;
	s9 =	sld [smem:$0x3FAA]  }
0x2f: {  	lr =	sadd.s32 s0, s3;
	s0 =	sld [smem:$0x3FA1]  }
0x30: {  	s3 =	sld [smem:$0x3FA4]  }
0x31: {  	[smem:$0x3FAD] =	sst s10  }
0x32: {  	s10 =	sld [smem:$0x3FAB];
	_ =	sdelay $0x3  }
0x33: {  	p0 =	seq.s32 s10, $0x1;
	s10 =	sld [smem:$0x3FAD];
	_ =	sdelay $0x3  }
0x34: {  	[smem:$0x3FAD] =	sst s10  }
0x35: {  	s10 =	sld [smem:$0x3FAC];
	_ =	sdelay $0x3  }
0x36: {  	p1 =	seq.s32 s10, $0x1;
	s10 =	sld [smem:$0x3FAD];
	_ =	sdelay $0x3  }
0x37: {  	[smem:$0x3FAD] =	sst s10  }
0x38: {  	s10 =	sld [smem:$0x3FAE]  }
0x39: {  	_ = 	snop;
	(pc) =	sbr.ind lr, $3  }
0x3a: {  	_ = 	snop  }
0x3b: {  	_ = 	snop  }
0x3c: {  	p2 =	seq.s32 s10, $0x1;
	s10 =	sld [smem:$0x3FAD]  }
0x3d: {  	_ =	shalt  }
0x3e: {  	_ =	shalt  }
0x3f: {  	_ =	shalt  }
0x40: {  	_ =	shalt  }
0x41: {  	_ =	shalt  }
0x42: {  	_ =	shalt  }
0x43: {  	_ =	shalt  }
0x44: {  	_ =	shalt  }
0x45: {  	_ =	shalt  }
0x46: {  	_ =	shalt  }
0x47: {  	_ =	shalt  }
0x48: {  	_ =	shalt  }
0x49: {  	_ =	shalt  }
0x4a: {  	_ =	shalt  }
0x4b: {  	_ =	shalt  }
0x4c: {  	_ =	shalt  }
0x4d: {  	_ =	shalt  }
0x4e: {  	_ =	shalt  }
0x4f: {  	_ =	shalt  }
0x50: {  	_ =	shalt  }
0x51: {  	_ =	shalt  }
0x52: {  	_ =	shalt  }
0x53: {  	_ =	shalt  }
0x54: {  	_ =	shalt  }
0x55: {  	_ =	shalt  }
0x56: {  	_ =	shalt  }
0x57: {  	_ =	shalt  }
0x58: {  	_ =	shalt  }
0x59: {  	_ =	shalt  }
0x5a: {  	_ =	shalt  }
0x5b: {  	_ =	shalt  }
0x5c: {  	_ =	shalt  }
0x5d: {  	_ =	shalt  }
0x5e: {  	_ =	shalt  }
0x5f: {  	_ =	shalt  }
0x60: {  	_ =	shalt  }
0x61: {  	_ =	shalt  }
0x62: {  	_ =	shalt  }
0x63: {  	_ =	shalt  }
0x64: {  	_ =	shalt  }
0x65: {  	_ =	shalt  }
0x66: {  	_ =	shalt  }
0x67: {  	_ =	shalt  }
0x68: {  	_ =	shalt  }
0x69: {  	_ =	shalt  }
0x6a: {  	_ =	shalt  }
0x6b: {  	_ =	shalt  }
0x6c: {  	_ =	shalt  }
0x6d: {  	_ =	shalt  }
0x6e: {  	_ =	shalt  }
0x6f: {  	_ =	shalt  }
0x70: {  	_ =	shalt  }
0x71: {  	_ =	shalt  }
0x72: {  	_ =	shalt  }
0x73: {  	_ =	shalt  }
0x74: {  	_ =	shalt  }
0x75: {  	_ =	shalt  }
0x76: {  	_ =	shalt  }
0x77: {  	_ =	shalt  }
0x78: {  	_ =	shalt  }
0x79: {  	_ =	shalt  }
0x7a: {  	_ =	shalt  }
0x7b: {  	_ =	shalt  }
0x7c: {  	_ =	shalt  }
0x7d: {  	_ =	shalt  }
0x7e: {  	_ =	shalt  }
0x7f: {  	_ =	shalt  }
0x80: {  	_ =	shalt  }
0x81: {  	_ =	shalt  }
0x82: {  	_ =	shalt  }
0x83: {  	_ =	shalt  }
0x84: {  	_ =	shalt  }
0x85: {  	_ =	shalt  }
0x86: {  	_ =	shalt  }
0x87: {  	_ =	shalt  }
.Lfunc_end0:
.L_simem_size_0:
called_computation.1_lowered:
.L_overlay_start_0:
0x88: {  	s2 =	sld [smem:$0x3FD9]  }
0x89: {  	s3 =	sld [smem:$0x3FFE];
	_ =	sdelay $0x1  }
0x8a: {  	s1 =	srdreg.scid  }
0x8b: {  	s0 =	sand.u32 $0x1, s1  }
0x8c: {  	s17 =	sshll.u32 s0, $0xA;
	s2 =	sadd.s32 s3, s2  }
0x8d: {  	s2 =	sadd.s32 s2, s17  }
0x8e: {  	[smem:$0x3FB9] =	sst s2  }
0x8f: {  	_ = 	snop  }
0x90: {  	(tm) =	ssettm $0x1  }
0x91: {  	s18 =	sld [smem:$0x3FFB];
	_ =	sdelay $0x3  }
0x92: {  	_ =	strace s18  }
0x93: {  	s2 =	sld [smem:$0x3FFC];
	_ =	sdelay $0x3  }
0x94: {  	_ =	strace s2  }
0x95: {  	s2 =	sld [smem:$0x3FFD];
	_ =	sdelay $0x3  }
0x96: {  	_ =	strace s2  }
0x97: {  	_ =	strace $0x8FFFFFFF  }
0x98: {  	s19 =	sld [smem:$0x3FDB];
	_ =	sdelay $0x1  }
0x99: {  	s20 =	simm.s32 $_scs_section_size  }
0x9a: {  	s4 =	simm.s32 $_size__tile_overlayer_lowered;
	s5 =	simm.s32 $_tile_overlayer_lowered  }
0x9b: {  	s6 =	simm.s32 $0x1BFF;
	s21 =	sshll.u32 s5, $0x1;
	s3 =	sadd.s32 s20, s19  }
0x9c: {  	s22 =	simm.s32 $0x0;
	s4 =	sshll.u32 s4, $0x1;
	s5 =	sadd.s32 s21, s3  }
0x9d: {  	[timem:s22], [sflag:s6] =	dma.local [hbm:s5], s4  }
0x9e: {  	_ =	swait.ge [sflag:s6], s4  }
0x9f: {  	s4 =	ssub.s32 $0x0, s4;
	[sflag:s6] =	ssyncset.done $0x0  }
0xa0: {  	[sflag:s6] =	ssyncadd.s32 s4;
	_ =	sdelay $0x1  }
0xa1: {  	s23 =	simm.s32 $0x1B8B  }
0xa2: {  	_ =	swait.ge [sflag:s23], $0x1  }
0xa3: {  	[sflag:s23] =	ssyncset.done $0x0  }
0xa4: {  	[sflag:s23] =	ssyncadd.s32 $0xFFFFFFFF  }
0xa5: {  	s4 =	sld [smem:$0x0]  }
0xa6: {  	s5 =	sand.u32 $0xFFFFFFFE, s1  }
0xa7: {  	p0 =	sne.s32 s1, s5  }
0xa8: {  	s5 =	sshll.u32 @p0 s5, $0xE  }
0xa9: {  	s5 =	sadd.s32 @p0 $0x11B8D, s5;
	s6 =	sshll.u32 @p0 s4, $0x11  }
0xaa: {  	s5 =	sor.u32 @p0 s6, s5  }
0xab: {  	[sflag:s5] =	ssyncadd.remote.s32 @p0 $0x1;
	_ =	sdelay $0x1  }
0xac: {  	s5 =	simm.s32 @p0 $0x1B8D  }
0xad: {  	_ =	swait.eq @p0 [sflag:s5], $0x1  }
0xae: {  	[sflag:s5] =	ssyncadd.s32 @p0 $0xFFFFFFFF  }
0xaf: {  	s6 =	sshll.u32 @!p0 s1, $0xE  }
0xb0: {  	s6 =	sor.u32 @!p0 $0x4000, s6;
	s5 =	simm.s32 @!p0 $0x1B8D  }
0xb1: {  	s4 =	sshll.u32 @!p0 s4, $0x11;
	s6 =	sadd.s32 @!p0 $0x11B8D, s6;
	_ =	swait.eq @!p0 [sflag:s5], $0x1  }
0xb2: {  	s4 =	sor.u32 @!p0 s4, s6;
	[sflag:s5] =	ssyncadd.s32 @!p0 $0xFFFFFFFF  }
0xb3: {  	s25 =	simm.s32 $0x1B8E;
	s24 =	sld [smem:$0x3FFE];
	[sflag:s4] =	ssyncadd.remote.s32 @!p0 $0x1  }
0xb4: {  	s26 =	simm.s32 $execute0_lowered;
	[smem:$0x3FD2] =	sst s25  }
0xb5: {  	s5 =	sshll.u32 s26, $0x1;
	_ =	strace $0x8000004F;
	[dreg:$0x1] =	wrdreg $0xFFFFFFFF  }
0xb6: {  	s28 =	simm.s32 $_size_execute0_lowered;
	s3 =	sadd.s32 s3, s5;
	[dreg:$0x0] =	wrdreg $0x0  }
0xb7: {  	s5 =	sshll.u32 s28, $0x1;
	[dreg:$0x2] =	wrdreg s3  }
0xb8: {  	[dreg:$0x3] =	wrdreg s5  }
0xb9: {  	[dreg:$0x4] =	wrdreg $0xC0  }
0xba: {  	_ =	task [dreg:s22], $0x5FFFF  }
0xbb: {  	[dreg:$0x1] =	wrdreg $0xFFFFFFFF  }
0xbc: {  	[dreg:$0x0] =	wrdreg $0x60  }
0xbd: {  	[dreg:$0x2] =	wrdreg s24  }
0xbe: {  	[dreg:$0x3] =	wrdreg $0x65000  }
0xbf: {  	[dreg:$0x4] =	wrdreg $0x9  }
0xc0: {  	_ =	task.clear_ibuf [dreg:s22], $0x5FFFF;
	_ =	strace $0x9000004F  }
0xc1: {  	s29 =	simm.s32 $0x9;
	_ =	strace $0x80000051  }
0xc2: {  	_ =	swait.ge [sflag:s29], $0x1  }
0xc3: {  	[sflag:s29] =	ssyncadd.s32 $0xFFFFFFFF  }
0xc4: {  	_ =	strace $0x90000051  }
0xc5: {  	_ =	sfence  }
0xc6: {  	s30 =	sld [smem:$0x0];
	_ =	sdelay $0x2  }
0xc7: {  	s31 =	sshll.u32 s1, $0xD;
	s1 =	sshrl.u32 s1, $0x2  }
0xc8: {  	s4 =	sand.u32 $0x4000, s31;
	s1 =	sadd.s32 s1, s30  }
0xc9: {  	s0 =	sor.u32 s4, s0;
	s1 =	sshll.u32 s1, $0x11  }
0xca: {  	s0 =	sor.u32 s1, s0  }
0xcb: {  	s0 =	sadd.s32 $0x8F2B, s0  }
0xcc: {  	[sflag:s0] =	ssyncadd.remote.s32 $0x1  }
0xcd: {  	_ =	sfence.sel $0xFFFF  }
0xce: {  	[dreg:$0x0] =	wrdreg $0xFFFFFFFF;
	(pc) =	sbr.abs _section_cstart, $3  }
0xcf: {  	[dreg:$0x1] =	wrdreg $0xFFFFFFFF  }
0xd0: {  	_ =	task.clear_ibuf [dreg:s22], $0x2FFFF;
	_ =	strace $0x9FFFFFFF  }
0xd1: {  	(tm) =	ssettm $0x7FFFFFFF  }
tec
execute0_lowered:
.L_overlay_start_1:
0x0: {  	(tag) =	ssettag $0x1  }
0x1: {  	s0 =	srdreg.scid;
	s5 =	rddreg [dreg:$0x0]  }
0x2: {  	s7 =	stileid.u32;
	s1 =	rddreg [dreg:$0x1]  }
0x3: {  	s2 =	simm.s32 $0x0;
	s11 =	simm.s32 $0xC8;
	s6 =	smul.u32 $0x1388, s7  }
0x4: {  	s3 =	sand.u32 $0x1, s0;
	s0 =	rddreg [dreg:$0x2];
	s10 =	smul.u32 $0x13880, s7  }
0x5: {  	s12 =	simm.s32 $0x0;
	[smem:$0x7FF] =	sst s2;
	s4 =	smul.u32 $0x13880, s3  }
0x6: {  	p0 =	sne.s32 s7, $0x0;
	s29 =	smul.u32 $0x138800, s3;
	_ =	strace $0x80000050  }
0x7: {  	s30 =	smul.u32 $0x27100, s3;
	s9 =	ssub.s32 $0x2, s3;
	s3 =	sadd.s32 $0xA79E00, s5  }
0x8: {  	s31 =	sshrl.u32 s9, $0x1;
	s4 =	sadd.s32 s6, s4;
	s6 =	sadd.s32 s29, s5  }
0x9: {  	s4 =	sshrl.u32 s4, $0x3;
	s6 =	sadd.s32 s10, s6;
	s10 =	simm.s32 $0x100  }
0xa: {  	s8 =	sadd.s32 s4, s5;
	s4 =	sadd.s32 s30, s5;
	s5 =	ssub.s32 s9, s31  }
0xb: {  	s6 =	sadd.s32 $0x2CEC00, s6;
	s9 =	simm.s32 $0x1;
	s4 =	sadd.s32 $0xAEF200, s4  }
0xc: {  	s5 =	smax.u32 s5, $0x1;
	s7 =	sadd.s32 $0x544C00, s8;
	s8 =	sshrl.u32 @!p0 s1, $0x3  }
.LBB2_1:
0xd: {  	s13 =	simm.s32 @!p0 $0x1C01  }
0xe: {  	[spmem:s8], [sflag:s13] =	dma.local @!p0 [hbm:s3], $0x27100  }
0xf: {  	s13 =	simm.s32 @!p0 $0x1  }
0x10: {  	_ =	swait.ge @!p0 [sflag:s13], $0x27100  }
0x11: {  	[sflag:s13] =	ssyncset.done @!p0 $0x0  }
0x12: {  	[sflag:s13] =	ssyncadd.s32 @!p0 $0xFFFD8F00  }
0x13: {  	s31 =	sadd.s32 $0x0, s7;
	[bflag:$0x0] =	sbarrier.arrive $0xFFFF  }
0x14: {  	[tilespmem:s2], [sflag:$0x1] =	stream.linear.gather [hbm4b:s31+s2], $0xC8, $0x38;
	[tilespmem:$0x19D80] =	vst v63  }
0x15: {  	_ =	swait.ge [sflag:s9], $0xC8  }
0x16: {  	[sflag:s9] =	ssyncset.done $0x0  }
0x17: {  	[sflag:s9] =	ssyncadd.s32 $0xFFFFFF38  }
0x18: {  	[tilespmem:s10], [sflag:$0x1] =	stream.linear.gather [hbm4b:s6+s2], $0x6400, $0x38;
	[tilespmem:$0x19D80] =	vst v63  }
0x19: {  	_ =	swait.ge [sflag:s9], $0x6400  }
0x1a: {  	[sflag:s9] =	ssyncset.done $0x0  }
0x1b: {  	[sflag:s9] =	ssyncadd.s32 $0xFFFF9C00  }
0x1c: {  	[spmem:s1] =	stream.indirect.scatter.add.f32 [tilespmem:s10], [sflag:$0x1], $0x80, s2, s11, $0xb8;
	[tilespmem:$0x19D80] =	vst v63  }
0x1d: {  	s14 =	simm.s32 $0x19;
	_ =	swait.ge [sflag:s9], $0x6400  }
0x1e: {  	s15 =	simm.s32 $0x32;
	s13 =	sadd.s32 $0xC80, s6;
	[sflag:s9] =	ssyncset.done $0x0  }
.LBB2_2:
0x1f: {  	s16 =	sadd.s32 s14, s7  }
0x20: {  	[sflag:s9] =	ssyncadd.s32 $0xFFFF9C00;
	s14 =	smov.u32 s15;
	s17 =	sadd.s32 $0x19, s15  }
0x21: {  	[tilespmem:s2], [sflag:$0x1] =	stream.linear.gather [hbm4b:s16+s2], $0xC8, $0x38;
	[tilespmem:$0x19D80] =	vst v63  }
0x22: {  	p1 =	sne.s32 s15, $0x258;
	_ =	swait.ge [sflag:s9], $0xC8  }
0x23: {  	[sflag:s9] =	ssyncset.done $0x0  }
0x24: {  	[sflag:s9] =	ssyncadd.s32 $0xFFFFFF38  }
0x25: {  	[tilespmem:s10], [sflag:$0x1] =	stream.linear.gather [hbm4b:s13+s2], $0x6400, $0x38;
	[tilespmem:$0x19D80] =	vst v63  }
0x26: {  	_ =	swait.ge [sflag:s9], $0x6400  }
.Ltmp0:
0x27: {  	[sflag:s9] =	ssyncset.done $0x0;
	(pc) =	sbr.rel @p1 .LBB2_2-.Ltmp0, $4  }
0x28: {  	[sflag:s9] =	ssyncadd.s32 $0xFFFF9C00  }
0x29: {  	[spmem:s1] =	stream.indirect.scatter.add.f32 [tilespmem:s10], [sflag:$0x1], $0x80, s2, s11, $0xb8;
	[tilespmem:$0x19D80] =	vst v63  }
0x2a: {  	_ =	swait.ge [sflag:s9], $0x6400  }
0x2b: {  	s15 =	smov.u32 s17;
	s13 =	sadd.s32 $0xC80, s13;
	[sflag:s9] =	ssyncset.done $0x0  }
0x2c: {  	s14 =	sadd.s32 s14, s7;
	[sflag:s9] =	ssyncadd.s32 $0xFFFF9C00  }
0x2d: {  	[tilespmem:s2], [sflag:$0x1] =	stream.linear.gather [hbm4b:s14+s2], $0xC8, $0x38;
	[tilespmem:$0x19D80] =	vst v63  }
0x2e: {  	_ =	swait.ge [sflag:s9], $0xC8  }
0x2f: {  	[sflag:s9] =	ssyncset.done $0x0  }
0x30: {  	[sflag:s9] =	ssyncadd.s32 $0xFFFFFF38  }
0x31: {  	[tilespmem:s10], [sflag:$0x1] =	stream.linear.gather [hbm4b:s13+s2], $0x6400, $0x38;
	[tilespmem:$0x19D80] =	vst v63  }
0x32: {  	_ =	swait.ge [sflag:s9], $0x6400  }
0x33: {  	[sflag:s9] =	ssyncset.done $0x0  }
0x34: {  	[sflag:s9] =	ssyncadd.s32 $0xFFFF9C00  }
0x35: {  	[spmem:s1] =	stream.indirect.scatter.add.f32 [tilespmem:s10], [sflag:$0x1], $0x80, s2, s11, $0xb8;
	[tilespmem:$0x19D80] =	vst v63  }
0x36: {  	_ =	swait.ge [sflag:s9], $0x6400  }
0x37: {  	[sflag:s9] =	ssyncset.done $0x0  }
0x38: {  	s12 =	sadd.s32 $0x1, s12;
	[sflag:s9] =	ssyncadd.s32 $0xFFFF9C00  }
0x39: {  	p1 =	sne.s32 s12, s5;
	s13 =	simm.s32 @!p0 $0x1C01;
	[bflag:$0x0] =	sbarrier.arrive $0xFFFF  }
0x3a: {  	[hbm:s4], [sflag:s13] =	dma.local @!p0 [spmem:s8], $0x27100  }
.Ltmp1:
0x3b: {  	_ = 	snop;
	(pc) =	sbr.rel @p1 .LBB2_1-.Ltmp1, $4  }
0x3c: {  	s13 =	simm.s32 @!p0 $0x1  }
0x3d: {  	_ =	swait.ge @!p0 [sflag:s13], $0x27100  }
0x3e: {  	[sflag:s13] =	ssyncset.done @!p0 $0x0  }
0x3f: {  	[sflag:s13] =	ssyncadd.s32 @!p0 $0xFFFD8F00  }
0x40: {  	_ =	sfence.sel $0x180000  }
0x41: {  	[bflag:$0x0] =	sbarrier.arrive $0xFFFF  }
0x42: {  	_ =	strace $0x90000050  }
0x43: {  	s0 =	sadd.s32 @!p0 $0x100000, s0;
	[bflag:$0x2] =	sbarrier.arrive $0xFFFF  }
0x44: {  	[sflag:s0] =	ssyncadd.tile.s32 @!p0 $0x1;
	_ =	shalt  }
.Lfunc_end2:
_tile_overlayer_lowered:
.L_overlay_start_2:
0x45: {  	(tag) =	ssettag $0x2  }
0x46: {  	s0 =	rddreg [dreg:$0x0];
	s2 =	stileid.u32  }
0x47: {  	s1 =	rddreg [dreg:$0x1];
	p0 =	sne.s32 s2, $0x0  }
0x48: {  	s3 =	rddreg [dreg:$0x2];
	[bflag:$0x3] =	sbarrier.arrive $0xFFFF;
	s2 =	simm.s32 @!p0 $0x1C01  }
0x49: {  	[timem:s3], [sflag:s2] =	dma.local @!p0 [hbm:s0], s1  }
0x4a: {  	s0 =	simm.s32 @!p0 $0x1  }
0x4b: {  	_ =	swait.ge @!p0 [sflag:s0], s1  }
0x4c: {  	s1 =	ssub.s32 @!p0 $0x0, s1;
	[sflag:s0] =	ssyncset.done @!p0 $0x0  }
0x4d: {  	[sflag:s0] =	ssyncadd.s32 @!p0 s1  }
0x4e: {  	[bflag:$0x3] =	sbarrier.arrive $0xFFFF  }
0x4f: {  	_ =	shalt  }

// kernel: kernel.15.cloned.1.call-start
scs
__scs_entry_jumppad:
0x0: {  	(pc) =	sbr.rel $0x88, $3  }
0x1: {  	(tag) =	ssettag $0x0;
	lr =	simm.s32 $0x1  }
0x2: {  	[smem:$0x3F92] =	sst lr;
	_ =	strace $0xD0000000  }
0x3: {  	_ = 	snop  }
0x4: {  	_ = 	snop  }
0x5: {  	_ = 	snop  }
0x6: {  	_ = 	snop  }
0x7: {  	_ = 	snop  }
__scs_overlays_trampoline_lowered:
0x8: {  	[smem:$0x3FA1] =	sst s0  }
0x9: {  	[smem:$0x3FA2] =	sst s1  }
0xa: {  	[smem:$0x3FA3] =	sst s2  }
0xb: {  	[smem:$0x3FA4] =	sst s3  }
0xc: {  	[smem:$0x3FA5] =	sst s4  }
0xd: {  	[smem:$0x3FA6] =	sst s5  }
0xe: {  	[smem:$0x3FA7] =	sst s6  }
0xf: {  	[smem:$0x3FA8] =	sst s7  }
0x10: {  	[smem:$0x3FA9] =	sst s8  }
0x11: {  	[smem:$0x3FAA] =	sst s9;
	s0 =	simm.s32 @!p0 $0x0  }
0x12: {  	s1 =	sld [smem:$0x3F90];
	s0 =	simm.s32 @p0 $0x1  }
0x13: {  	[smem:$0x3FAB] =	sst s0;
	s0 =	simm.s32 @!p1 $0x0  }
0x14: {  	s2 =	sld [smem:$0x3F8F];
	s0 =	simm.s32 @p1 $0x1  }
0x15: {  	[smem:$0x3FAC] =	sst s0;
	s0 =	simm.s32 @!p2 $0x0  }
0x16: {  	s3 =	sld [smem:$0x3FDB];
	s0 =	simm.s32 @p2 $0x1  }
0x17: {  	s4 =	simm.s32 $0x1BF5;
	[smem:$0x3FAE] =	sst s0  }
0x18: {  	s0 =	sld [smem:$0x3F91];
	_ =	swait.ge [sflag:s4], $0x0  }
0x19: {  	s7 =	sld [smem:$0x3F92]  }
0x1a: {  	s8 =	sadd.s32 $0xFFFFE003, lr  }
0x1b: {  	s9 =	sadd.s32 $0xFFFFFEF7, lr;
	s5 =	simm.s32 $0xFFFFFFFF;
	p2 =	slt.u32 s8, $0xFFFFF086  }
0x1c: {  	p1 =	slt.u32 s9, $0xF7A;
	s5 =	simm.s32 @!p2 $0x0  }
0x1d: {  	s5 =	simm.s32 @p1 $0x1;
	p0 =	seq.s32 s7, s2  }
0x1e: {  	s7 =	smul.u32 @!p0 $0xF7A, s2;
	p2 =	seq.s32 @!p0 s5, $0x0  }
0x1f: {  	s9 =	smul.u32 $0xF7A, s1;
	s8 =	simm.s32 @!p0 $0x1BF5;
	p2 =	por !p2, p0  }
0x20: {  	[sflag:s8] =	ssyncset.s32 @!p0 $0xFFFFF086;
	s6 =	sadd.s32 @!p0 s3, s7;
	s7 =	simm.s32 @!p0 $0x108  }
0x21: {  	s3 =	sadd.s32 s3, s9;
	s6 =	sadd.s32 @!p0 $0x88, s6;
	s7 =	simm.s32 @p2 $0x1082  }
0x22: {  	[simem:s7], [sflag:s8] =	dma.local @!p0 [hbm:s6], $0xF7A  }
0x23: {  	s9 =	sor.u32 $0xD0000000, s2;
	s6 =	simm.s32 $0x108;
	_ =	swait.ge @!p0 [sflag:s8], $0x0  }
0x24: {  	s3 =	sadd.s32 $0x88, s3;
	s6 =	simm.s32 @!p1 $0x1082;
	[sflag:s4] =	ssyncset.s32 $0xFFFFF086  }
0x25: {  	[simem:s6], [sflag:s4] =	dma.local [hbm:s3], $0xF7A  }
0x26: {  	[smem:$0x3F92] =	sst s1;
	(tag) =	ssettag s2;
	_ =	strace s9  }
0x27: {  	s1 =	sld [smem:$0x3FA2]  }
0x28: {  	s2 =	sld [smem:$0x3FA3]  }
0x29: {  	s4 =	sld [smem:$0x3FA5]  }
0x2a: {  	p0 =	seq.s32 s5, $0x0;
	s5 =	sld [smem:$0x3FA6]  }
0x2b: {  	s6 =	sld [smem:$0x3FA7]  }
0x2c: {  	s7 =	sld [smem:$0x3FA8]  }
0x2d: {  	s3 =	simm.s32 $0x108;
	s8 =	sld [smem:$0x3FA9]  }
0x2e: {  	s3 =	simm.s32 @!p0 $0x1082;
	s9 =	sld [smem:$0x3FAA]  }
0x2f: {  	lr =	sadd.s32 s0, s3;
	s0 =	sld [smem:$0x3FA1]  }
0x30: {  	s3 =	sld [smem:$0x3FA4]  }
0x31: {  	[smem:$0x3FAD] =	sst s10  }
0x32: {  	s10 =	sld [smem:$0x3FAB];
	_ =	sdelay $0x3  }
0x33: {  	p0 =	seq.s32 s10, $0x1;
	s10 =	sld [smem:$0x3FAD];
	_ =	sdelay $0x3  }
0x34: {  	[smem:$0x3FAD] =	sst s10  }
0x35: {  	s10 =	sld [smem:$0x3FAC];
	_ =	sdelay $0x3  }
0x36: {  	p1 =	seq.s32 s10, $0x1;
	s10 =	sld [smem:$0x3FAD];
	_ =	sdelay $0x3  }
0x37: {  	[smem:$0x3FAD] =	sst s10  }
0x38: {  	s10 =	sld [smem:$0x3FAE]  }
0x39: {  	_ = 	snop;
	(pc) =	sbr.ind lr, $3  }
0x3a: {  	_ = 	snop  }
0x3b: {  	_ = 	snop  }
0x3c: {  	p2 =	seq.s32 s10, $0x1;
	s10 =	sld [smem:$0x3FAD]  }
0x3d: {  	_ =	shalt  }
0x3e: {  	_ =	shalt  }
0x3f: {  	_ =	shalt  }
0x40: {  	_ =	shalt  }
0x41: {  	_ =	shalt  }
0x42: {  	_ =	shalt  }
0x43: {  	_ =	shalt  }
0x44: {  	_ =	shalt  }
0x45: {  	_ =	shalt  }
0x46: {  	_ =	shalt  }
0x47: {  	_ =	shalt  }
0x48: {  	_ =	shalt  }
0x49: {  	_ =	shalt  }
0x4a: {  	_ =	shalt  }
0x4b: {  	_ =	shalt  }
0x4c: {  	_ =	shalt  }
0x4d: {  	_ =	shalt  }
0x4e: {  	_ =	shalt  }
0x4f: {  	_ =	shalt  }
0x50: {  	_ =	shalt  }
0x51: {  	_ =	shalt  }
0x52: {  	_ =	shalt  }
0x53: {  	_ =	shalt  }
0x54: {  	_ =	shalt  }
0x55: {  	_ =	shalt  }
0x56: {  	_ =	shalt  }
0x57: {  	_ =	shalt  }
0x58: {  	_ =	shalt  }
0x59: {  	_ =	shalt  }
0x5a: {  	_ =	shalt  }
0x5b: {  	_ =	shalt  }
0x5c: {  	_ =	shalt  }
0x5d: {  	_ =	shalt  }
0x5e: {  	_ =	shalt  }
0x5f: {  	_ =	shalt  }
0x60: {  	_ =	shalt  }
0x61: {  	_ =	shalt  }
0x62: {  	_ =	shalt  }
0x63: {  	_ =	shalt  }
0x64: {  	_ =	shalt  }
0x65: {  	_ =	shalt  }
0x66: {  	_ =	shalt  }
0x67: {  	_ =	shalt  }
0x68: {  	_ =	shalt  }
0x69: {  	_ =	shalt  }
0x6a: {  	_ =	shalt  }
0x6b: {  	_ =	shalt  }
0x6c: {  	_ =	shalt  }
0x6d: {  	_ =	shalt  }
0x6e: {  	_ =	shalt  }
0x6f: {  	_ =	shalt  }
0x70: {  	_ =	shalt  }
0x71: {  	_ =	shalt  }
0x72: {  	_ =	shalt  }
0x73: {  	_ =	shalt  }
0x74: {  	_ =	shalt  }
0x75: {  	_ =	shalt  }
0x76: {  	_ =	shalt  }
0x77: {  	_ =	shalt  }
0x78: {  	_ =	shalt  }
0x79: {  	_ =	shalt  }
0x7a: {  	_ =	shalt  }
0x7b: {  	_ =	shalt  }
0x7c: {  	_ =	shalt  }
0x7d: {  	_ =	shalt  }
0x7e: {  	_ =	shalt  }
0x7f: {  	_ =	shalt  }
0x80: {  	_ =	shalt  }
0x81: {  	_ =	shalt  }
0x82: {  	_ =	shalt  }
0x83: {  	_ =	shalt  }
0x84: {  	_ =	shalt  }
0x85: {  	_ =	shalt  }
0x86: {  	_ =	shalt  }
0x87: {  	_ =	shalt  }
.Lfunc_end0:
.L_simem_size_0:
called_computation.2_lowered:
.L_overlay_start_0:
0x88: {  	s2 =	sld [smem:$0x3FD9]  }
0x89: {  	s3 =	sld [smem:$0x3FFE];
	_ =	sdelay $0x1  }
0x8a: {  	s1 =	srdreg.scid  }
0x8b: {  	s0 =	sand.u32 $0x1, s1  }
0x8c: {  	s16 =	sshll.u32 s0, $0xA;
	s2 =	sadd.s32 s3, s2  }
0x8d: {  	s2 =	sadd.s32 s2, s16  }
0x8e: {  	[smem:$0x3FB9] =	sst s2  }
0x8f: {  	_ = 	snop  }
0x90: {  	(tm) =	ssettm $0x1  }
0x91: {  	s17 =	sld [smem:$0x3FFB];
	_ =	sdelay $0x3  }
0x92: {  	_ =	strace s17  }
0x93: {  	s2 =	sld [smem:$0x3FFC];
	_ =	sdelay $0x3  }
0x94: {  	_ =	strace s2  }
0x95: {  	s2 =	sld [smem:$0x3FFD];
	_ =	sdelay $0x3  }
0x96: {  	_ =	strace s2  }
0x97: {  	_ =	strace $0x8FFFFFFF  }
0x98: {  	s18 =	sld [smem:$0x3FDB];
	_ =	sdelay $0x1  }
0x99: {  	s19 =	simm.s32 $_scs_section_size  }
0x9a: {  	s4 =	simm.s32 $_size__tile_overlayer_lowered;
	s5 =	simm.s32 $_tile_overlayer_lowered  }
0x9b: {  	s22 =	simm.s32 $0x1BFF;
	s21 =	sshll.u32 s5, $0x1;
	s2 =	sadd.s32 s19, s18  }
0x9c: {  	s6 =	simm.s32 $0x0;
	s20 =	sshll.u32 s4, $0x1;
	s4 =	sadd.s32 s21, s2  }
0x9d: {  	[timem:s6], [sflag:s22] =	dma.local [hbm:s4], s20  }
0x9e: {  	_ =	swait.ge [sflag:s22], s20  }
0x9f: {  	s3 =	ssub.s32 $0x0, s20;
	[sflag:s22] =	ssyncset.done $0x0  }
0xa0: {  	[sflag:s22] =	ssyncadd.s32 s3;
	_ =	sdelay $0x1  }
0xa1: {  	s23 =	simm.s32 $0x1B8B  }
0xa2: {  	_ =	swait.ge [sflag:s23], $0x1  }
0xa3: {  	[sflag:s23] =	ssyncset.done $0x0  }
0xa4: {  	s25 =	simm.s32 $0x1B8E;
	s24 =	sld [smem:$0x3FFE];
	[sflag:s23] =	ssyncadd.s32 $0xFFFFFFFF  }
0xa5: {  	s26 =	simm.s32 $execute0_lowered;
	[smem:$0x3FD2] =	sst s25  }
0xa6: {  	s4 =	sshll.u32 s26, $0x1;
	_ =	strace $0x80000046;
	[dreg:$0x1] =	wrdreg $0xFFFFFFFF  }
0xa7: {  	s28 =	simm.s32 $_size_execute0_lowered;
	s2 =	sadd.s32 s2, s4;
	[dreg:$0x0] =	wrdreg $0x0  }
0xa8: {  	s4 =	sshll.u32 s28, $0x1;
	[dreg:$0x2] =	wrdreg s2  }
0xa9: {  	[dreg:$0x3] =	wrdreg s4  }
0xaa: {  	[dreg:$0x4] =	wrdreg $0xC0  }
0xab: {  	_ =	task [dreg:s6], $0x5FFFF  }
0xac: {  	[dreg:$0x1] =	wrdreg $0xFFFFFFFF  }
0xad: {  	[dreg:$0x0] =	wrdreg $0x60  }
0xae: {  	[dreg:$0x2] =	wrdreg s24  }
0xaf: {  	[dreg:$0x3] =	wrdreg $0xA  }
0xb0: {  	_ =	task.clear_ibuf [dreg:s6], $0x4FFFF;
	_ =	strace $0x90000046  }
0xb1: {  	s29 =	simm.s32 $0xA;
	_ =	strace $0x80000048  }
0xb2: {  	_ =	swait.ge [sflag:s29], $0x1  }
0xb3: {  	[sflag:s29] =	ssyncadd.s32 $0xFFFFFFFF  }
0xb4: {  	_ =	strace $0x90000048  }
0xb5: {  	_ =	sfence  }
0xb6: {  	s30 =	sld [smem:$0x0];
	_ =	sdelay $0x2  }
0xb7: {  	s31 =	sshll.u32 s1, $0xD;
	s1 =	sshrl.u32 s1, $0x2  }
0xb8: {  	s3 =	sand.u32 $0x4000, s31;
	s1 =	sadd.s32 s1, s30  }
0xb9: {  	s0 =	sor.u32 s3, s0;
	s1 =	sshll.u32 s1, $0x11  }
0xba: {  	s0 =	sor.u32 s1, s0  }
0xbb: {  	s0 =	sadd.s32 $0x8F2B, s0  }
0xbc: {  	[sflag:s0] =	ssyncadd.remote.s32 $0x1  }
0xbd: {  	_ =	sfence.sel $0xFFFF  }
0xbe: {  	[dreg:$0x0] =	wrdreg $0xFFFFFFFF;
	(pc) =	sbr.abs _section_cstart, $3  }
0xbf: {  	[dreg:$0x1] =	wrdreg $0xFFFFFFFF  }
0xc0: {  	_ =	task.clear_ibuf [dreg:s6], $0x2FFFF;
	_ =	strace $0x9FFFFFFF  }
0xc1: {  	(tm) =	ssettm $0x7FFFFFFF  }
tec
execute0_lowered:
.L_overlay_start_1:
0x0: {  	(tag) =	ssettag $0x1  }
0x1: {  	s4 =	rddreg [dreg:$0x0]  }
0x2: {  	s0 =	rddreg [dreg:$0x1];
	s3 =	srdreg.scid  }
0x3: {  	s1 =	stileid.u32;
	s2 =	simm.s32 $0x0;
	s11 =	simm.s32 $0xC8  }
0x4: {  	s12 =	simm.s32 $0x200;
	s13 =	simm.s32 $0x6600;
	s6 =	smul.u32 $0x2710, s1  }
0x5: {  	s14 =	simm.s32 $0x1;
	s5 =	sand.u32 $0x1, s3;
	s8 =	smul.u32 $0x27100, s1  }
0x6: {  	s15 =	simm.s32 $0x0;
	[smem:$0x7FF] =	sst s2;
	s7 =	smul.u32 $0x1388, s5  }
0x7: {  	s3 =	sadd.s32 $0x36A00, s4;
	s29 =	ssub.s32 $0x2, s5;
	s5 =	smul.u32 $0x13880, s5  }
0x8: {  	_ =	strace $0x80000047;
	s8 =	sadd.s32 s8, s4;
	s9 =	sshrl.u32 s29, $0x1  }
0x9: {  	s6 =	sadd.s32 s7, s6;
	s30 =	ssub.s32 s29, s9;
	s31 =	sadd.s32 s5, s8  }
0xa: {  	s9 =	simm.s32 $0x2;
	s6 =	sshrl.u32 s6, $0x3;
	s5 =	sadd.s32 $0x5DC00, s31  }
0xb: {  	s10 =	sadd.s32 s6, s4;
	s4 =	smax.u32 s30, $0x1;
	s6 =	sadd.s32 $0x2CEC00, s31  }
0xc: {  	s7 =	sadd.s32 $0x2CA00, s10;
	s8 =	sadd.s32 $0x31A00, s10;
	s10 =	simm.s32 $0x100  }
.LBB2_1:
0xd: {  	s16 =	sadd.s32 $0x0, s8  }
0xe: {  	[tilespmem:s2], [sflag:$0x2] =	stream.linear.gather [hbm4b:s16+s2], $0xC8, $0x38;
	[tilespmem:$0xCA00] =	vst v63  }
0xf: {  	_ =	swait.ge [sflag:s9], $0xC8  }
0x10: {  	[sflag:s9] =	ssyncset.done $0x0  }
0x11: {  	s31 =	sadd.s32 $0x0, s7;
	[sflag:s9] =	ssyncadd.s32 $0xFFFFFF38  }
0x12: {  	[tilespmem:s10], [sflag:$0x2] =	stream.linear.gather [hbm4b:s31+s2], $0xC8, $0x38;
	[tilespmem:$0xCA00] =	vst v63  }
0x13: {  	_ =	swait.ge [sflag:s9], $0xC8  }
0x14: {  	[sflag:s9] =	ssyncset.done $0x0  }
0x15: {  	[sflag:s9] =	ssyncadd.s32 $0xFFFFFF38  }
0x16: {  	[tilespmem:s12], [sflag:$0x1] =	stream.indirect.gather [hbm4b:s3+s11], $0x80, s2, s11, $0xb8;
	[tilespmem:$0xCA00] =	vst v63  }
0x17: {  	_ = 	snop  }
0x18: {  	[tilespmem:s13], [sflag:$0x1] =	stream.indirect.gather [hbm4b:s3+s11], $0x80, s10, s11, $0xb8;
	[tilespmem:$0xCA00] =	vst v63  }
0x19: {  	_ =	swait.ge [sflag:s14], $0x6400  }
0x1a: {  	[sflag:s14] =	ssyncset.done $0x0  }
0x1b: {  	[sflag:s14] =	ssyncadd.s32 $0xFFFF9C00  }
0x1c: {  	_ =	swait.ge [sflag:s14], $0x6400  }
0x1d: {  	[sflag:s14] =	ssyncset.done $0x0  }
0x1e: {  	[sflag:s14] =	ssyncadd.s32 $0xFFFF9C00  }
0x1f: {  	[hbm4b:s5+s2] =	stream.linear.scatter [tilespmem:s12], [sflag:$0x2], $0x6400, $0x38;
	[tilespmem:$0xCA00] =	vst v63  }
0x20: {  	_ =	swait.ge [sflag:s9], $0x6400  }
0x21: {  	[sflag:s9] =	ssyncset.done $0x0  }
0x22: {  	[sflag:s9] =	ssyncadd.s32 $0xFFFF9C00  }
0x23: {  	[hbm4b:s6+s2] =	stream.linear.scatter [tilespmem:s13], [sflag:$0x2], $0x6400, $0x38;
	[tilespmem:$0xCA00] =	vst v63  }
0x24: {  	s18 =	simm.s32 $0x19;
	s19 =	simm.s32 $0x32;
	_ =	swait.ge [sflag:s9], $0x6400  }
0x25: {  	s17 =	sadd.s32 $0xC80, s5;
	s16 =	sadd.s32 $0xC80, s6;
	[sflag:s9] =	ssyncset.done $0x0  }
.LBB2_2:
0x26: {  	s20 =	sadd.s32 s18, s8  }
0x27: {  	[sflag:s9] =	ssyncadd.s32 $0xFFFF9C00;
	s21 =	smov.u32 s19;
	s22 =	sadd.s32 $0x19, s19  }
0x28: {  	[tilespmem:s2], [sflag:$0x2] =	stream.linear.gather [hbm4b:s20+s2], $0xC8, $0x38;
	[tilespmem:$0xCA00] =	vst v63  }
0x29: {  	p0 =	sne.s32 s19, $0x258;
	_ =	swait.ge [sflag:s9], $0xC8  }
0x2a: {  	[sflag:s9] =	ssyncset.done $0x0  }
0x2b: {  	s19 =	sadd.s32 s18, s7;
	s18 =	smov.u32 s21;
	[sflag:s9] =	ssyncadd.s32 $0xFFFFFF38  }
0x2c: {  	[tilespmem:s10], [sflag:$0x2] =	stream.linear.gather [hbm4b:s19+s2], $0xC8, $0x38;
	[tilespmem:$0xCA00] =	vst v63  }
0x2d: {  	_ =	swait.ge [sflag:s9], $0xC8  }
0x2e: {  	[sflag:s9] =	ssyncset.done $0x0  }
0x2f: {  	[sflag:s9] =	ssyncadd.s32 $0xFFFFFF38  }
0x30: {  	[tilespmem:s12], [sflag:$0x1] =	stream.indirect.gather [hbm4b:s3+s11], $0x80, s2, s11, $0xb8;
	[tilespmem:$0xCA00] =	vst v63  }
0x31: {  	_ = 	snop  }
0x32: {  	[tilespmem:s13], [sflag:$0x1] =	stream.indirect.gather [hbm4b:s3+s11], $0x80, s10, s11, $0xb8;
	[tilespmem:$0xCA00] =	vst v63  }
0x33: {  	_ =	swait.ge [sflag:s14], $0x6400  }
0x34: {  	[sflag:s14] =	ssyncset.done $0x0  }
0x35: {  	[sflag:s14] =	ssyncadd.s32 $0xFFFF9C00  }
0x36: {  	_ =	swait.ge [sflag:s14], $0x6400  }
0x37: {  	[sflag:s14] =	ssyncset.done $0x0  }
0x38: {  	[sflag:s14] =	ssyncadd.s32 $0xFFFF9C00  }
0x39: {  	[hbm4b:s17+s2] =	stream.linear.scatter [tilespmem:s12], [sflag:$0x2], $0x6400, $0x38;
	[tilespmem:$0xCA00] =	vst v63  }
0x3a: {  	_ =	swait.ge [sflag:s9], $0x6400  }
.Ltmp0:
0x3b: {  	[sflag:s9] =	ssyncset.done $0x0;
	(pc) =	sbr.rel @p0 .LBB2_2-.Ltmp0, $4  }
0x3c: {  	[sflag:s9] =	ssyncadd.s32 $0xFFFF9C00  }
0x3d: {  	[hbm4b:s16+s2] =	stream.linear.scatter [tilespmem:s13], [sflag:$0x2], $0x6400, $0x38;
	[tilespmem:$0xCA00] =	vst v63  }
0x3e: {  	s19 =	smov.u32 s22;
	_ =	swait.ge [sflag:s9], $0x6400  }
0x3f: {  	s17 =	sadd.s32 $0xC80, s17;
	s16 =	sadd.s32 $0xC80, s16;
	[sflag:s9] =	ssyncset.done $0x0  }
0x40: {  	s19 =	sadd.s32 s18, s8;
	[sflag:s9] =	ssyncadd.s32 $0xFFFF9C00  }
0x41: {  	[tilespmem:s2], [sflag:$0x2] =	stream.linear.gather [hbm4b:s19+s2], $0xC8, $0x38;
	[tilespmem:$0xCA00] =	vst v63  }
0x42: {  	_ =	swait.ge [sflag:s9], $0xC8  }
0x43: {  	[sflag:s9] =	ssyncset.done $0x0  }
0x44: {  	s31 =	sadd.s32 s18, s7;
	[sflag:s9] =	ssyncadd.s32 $0xFFFFFF38  }
0x45: {  	[tilespmem:s10], [sflag:$0x2] =	stream.linear.gather [hbm4b:s31+s2], $0xC8, $0x38;
	[tilespmem:$0xCA00] =	vst v63  }
0x46: {  	_ =	swait.ge [sflag:s9], $0xC8  }
0x47: {  	[sflag:s9] =	ssyncset.done $0x0  }
0x48: {  	[sflag:s9] =	ssyncadd.s32 $0xFFFFFF38  }
0x49: {  	[tilespmem:s12], [sflag:$0x1] =	stream.indirect.gather [hbm4b:s3+s11], $0x80, s2, s11, $0xb8;
	[tilespmem:$0xCA00] =	vst v63  }
0x4a: {  	_ = 	snop  }
0x4b: {  	[tilespmem:s13], [sflag:$0x1] =	stream.indirect.gather [hbm4b:s3+s11], $0x80, s10, s11, $0xb8;
	[tilespmem:$0xCA00] =	vst v63  }
0x4c: {  	_ =	swait.ge [sflag:s14], $0x6400  }
0x4d: {  	[sflag:s14] =	ssyncset.done $0x0  }
0x4e: {  	[sflag:s14] =	ssyncadd.s32 $0xFFFF9C00  }
0x4f: {  	_ =	swait.ge [sflag:s14], $0x6400  }
0x50: {  	[sflag:s14] =	ssyncset.done $0x0  }
0x51: {  	[sflag:s14] =	ssyncadd.s32 $0xFFFF9C00  }
0x52: {  	[hbm4b:s17+s2] =	stream.linear.scatter [tilespmem:s12], [sflag:$0x2], $0x6400, $0x38;
	[tilespmem:$0xCA00] =	vst v63  }
0x53: {  	s15 =	sadd.s32 $0x1, s15;
	_ =	swait.ge [sflag:s9], $0x6400  }
0x54: {  	p0 =	sne.s32 s15, s4;
	[sflag:s9] =	ssyncset.done $0x0  }
.Ltmp1:
0x55: {  	[sflag:s9] =	ssyncadd.s32 $0xFFFF9C00;
	(pc) =	sbr.rel @p0 .LBB2_1-.Ltmp1, $4  }
0x56: {  	[hbm4b:s16+s2] =	stream.linear.scatter [tilespmem:s13], [sflag:$0x2], $0x6400, $0x38;
	[tilespmem:$0xCA00] =	vst v63  }
0x57: {  	_ =	swait.ge [sflag:s9], $0x6400  }
0x58: {  	[sflag:s9] =	ssyncset.done $0x0  }
0x59: {  	[sflag:s9] =	ssyncadd.s32 $0xFFFF9C00  }
0x5a: {  	_ =	sfence.sel $0x180000  }
0x5b: {  	[bflag:$0x0] =	sbarrier.arrive $0xFFFF  }
0x5c: {  	p0 =	sne.s32 s1, $0x0;
	_ =	strace $0x90000047  }
0x5d: {  	s0 =	sadd.s32 @!p0 $0x100000, s0;
	[bflag:$0x2] =	sbarrier.arrive $0xFFFF  }
0x5e: {  	[sflag:s0] =	ssyncadd.tile.s32 @!p0 $0x1;
	_ =	shalt  }
.Lfunc_end2:
_tile_overlayer_lowered:
.L_overlay_start_2:
0x5f: {  	(tag) =	ssettag $0x2  }
0x60: {  	s0 =	rddreg [dreg:$0x0];
	s2 =	stileid.u32  }
0x61: {  	s1 =	rddreg [dreg:$0x1];
	p0 =	sne.s32 s2, $0x0  }
0x62: {  	s3 =	rddreg [dreg:$0x2];
	[bflag:$0x3] =	sbarrier.arrive $0xFFFF;
	s2 =	simm.s32 @!p0 $0x1C02  }
0x63: {  	[timem:s3], [sflag:s2] =	dma.local @!p0 [hbm:s0], s1  }
0x64: {  	s0 =	simm.s32 @!p0 $0x2  }
0x65: {  	_ =	swait.ge @!p0 [sflag:s0], s1  }
0x66: {  	s1 =	ssub.s32 @!p0 $0x0, s1;
	[sflag:s0] =	ssyncset.done @!p0 $0x0  }
0x67: {  	[sflag:s0] =	ssyncadd.s32 @!p0 s1  }
0x68: {  	[bflag:$0x3] =	sbarrier.arrive $0xFFFF  }
0x69: {  	_ =	shalt  }

// kernel: kernel.18.cloned.1.call-start
scs
__scs_entry_jumppad:
0x0: {  	(pc) =	sbr.rel $0x88, $3  }
0x1: {  	(tag) =	ssettag $0x0;
	lr =	simm.s32 $0x1  }
0x2: {  	[smem:$0x3F92] =	sst lr;
	_ =	strace $0xD0000000  }
0x3: {  	_ = 	snop  }
0x4: {  	_ = 	snop  }
0x5: {  	_ = 	snop  }
0x6: {  	_ = 	snop  }
0x7: {  	_ = 	snop  }
__scs_overlays_trampoline_lowered:
0x8: {  	[smem:$0x3FA1] =	sst s0  }
0x9: {  	[smem:$0x3FA2] =	sst s1  }
0xa: {  	[smem:$0x3FA3] =	sst s2  }
0xb: {  	[smem:$0x3FA4] =	sst s3  }
0xc: {  	[smem:$0x3FA5] =	sst s4  }
0xd: {  	[smem:$0x3FA6] =	sst s5  }
0xe: {  	[smem:$0x3FA7] =	sst s6  }
0xf: {  	[smem:$0x3FA8] =	sst s7  }
0x10: {  	[smem:$0x3FA9] =	sst s8  }
0x11: {  	[smem:$0x3FAA] =	sst s9;
	s0 =	simm.s32 @!p0 $0x0  }
0x12: {  	s1 =	sld [smem:$0x3F90];
	s0 =	simm.s32 @p0 $0x1  }
0x13: {  	[smem:$0x3FAB] =	sst s0;
	s0 =	simm.s32 @!p1 $0x0  }
0x14: {  	s2 =	sld [smem:$0x3F8F];
	s0 =	simm.s32 @p1 $0x1  }
0x15: {  	[smem:$0x3FAC] =	sst s0;
	s0 =	simm.s32 @!p2 $0x0  }
0x16: {  	s3 =	sld [smem:$0x3FDB];
	s0 =	simm.s32 @p2 $0x1  }
0x17: {  	s4 =	simm.s32 $0x1BF5;
	[smem:$0x3FAE] =	sst s0  }
0x18: {  	s0 =	sld [smem:$0x3F91];
	_ =	swait.ge [sflag:s4], $0x0  }
0x19: {  	s7 =	sld [smem:$0x3F92]  }
0x1a: {  	s8 =	sadd.s32 $0xFFFFE003, lr  }
0x1b: {  	s9 =	sadd.s32 $0xFFFFFEF7, lr;
	s5 =	simm.s32 $0xFFFFFFFF;
	p2 =	slt.u32 s8, $0xFFFFF086  }
0x1c: {  	p1 =	slt.u32 s9, $0xF7A;
	s5 =	simm.s32 @!p2 $0x0  }
0x1d: {  	s5 =	simm.s32 @p1 $0x1;
	p0 =	seq.s32 s7, s2  }
0x1e: {  	s7 =	smul.u32 @!p0 $0xF7A, s2;
	p2 =	seq.s32 @!p0 s5, $0x0  }
0x1f: {  	s9 =	smul.u32 $0xF7A, s1;
	s8 =	simm.s32 @!p0 $0x1BF5;
	p2 =	por !p2, p0  }
0x20: {  	[sflag:s8] =	ssyncset.s32 @!p0 $0xFFFFF086;
	s6 =	sadd.s32 @!p0 s3, s7;
	s7 =	simm.s32 @!p0 $0x108  }
0x21: {  	s3 =	sadd.s32 s3, s9;
	s6 =	sadd.s32 @!p0 $0x88, s6;
	s7 =	simm.s32 @p2 $0x1082  }
0x22: {  	[simem:s7], [sflag:s8] =	dma.local @!p0 [hbm:s6], $0xF7A  }
0x23: {  	s9 =	sor.u32 $0xD0000000, s2;
	s6 =	simm.s32 $0x108;
	_ =	swait.ge @!p0 [sflag:s8], $0x0  }
0x24: {  	s3 =	sadd.s32 $0x88, s3;
	s6 =	simm.s32 @!p1 $0x1082;
	[sflag:s4] =	ssyncset.s32 $0xFFFFF086  }
0x25: {  	[simem:s6], [sflag:s4] =	dma.local [hbm:s3], $0xF7A  }
0x26: {  	[smem:$0x3F92] =	sst s1;
	(tag) =	ssettag s2;
	_ =	strace s9  }
0x27: {  	s1 =	sld [smem:$0x3FA2]  }
0x28: {  	s2 =	sld [smem:$0x3FA3]  }
0x29: {  	s4 =	sld [smem:$0x3FA5]  }
0x2a: {  	p0 =	seq.s32 s5, $0x0;
	s5 =	sld [smem:$0x3FA6]  }
0x2b: {  	s6 =	sld [smem:$0x3FA7]  }
0x2c: {  	s7 =	sld [smem:$0x3FA8]  }
0x2d: {  	s3 =	simm.s32 $0x108;
	s8 =	sld [smem:$0x3FA9]  }
0x2e: {  	s3 =	simm.s32 @!p0 $0x1082;
	s9 =	sld [smem:$0x3FAA]  }
0x2f: {  	lr =	sadd.s32 s0, s3;
	s0 =	sld [smem:$0x3FA1]  }
0x30: {  	s3 =	sld [smem:$0x3FA4]  }
0x31: {  	[smem:$0x3FAD] =	sst s10  }
0x32: {  	s10 =	sld [smem:$0x3FAB];
	_ =	sdelay $0x3  }
0x33: {  	p0 =	seq.s32 s10, $0x1;
	s10 =	sld [smem:$0x3FAD];
	_ =	sdelay $0x3  }
0x34: {  	[smem:$0x3FAD] =	sst s10  }
0x35: {  	s10 =	sld [smem:$0x3FAC];
	_ =	sdelay $0x3  }
0x36: {  	p1 =	seq.s32 s10, $0x1;
	s10 =	sld [smem:$0x3FAD];
	_ =	sdelay $0x3  }
0x37: {  	[smem:$0x3FAD] =	sst s10  }
0x38: {  	s10 =	sld [smem:$0x3FAE]  }
0x39: {  	_ = 	snop;
	(pc) =	sbr.ind lr, $3  }
0x3a: {  	_ = 	snop  }
0x3b: {  	_ = 	snop  }
0x3c: {  	p2 =	seq.s32 s10, $0x1;
	s10 =	sld [smem:$0x3FAD]  }
0x3d: {  	_ =	shalt  }
0x3e: {  	_ =	shalt  }
0x3f: {  	_ =	shalt  }
0x40: {  	_ =	shalt  }
0x41: {  	_ =	shalt  }
0x42: {  	_ =	shalt  }
0x43: {  	_ =	shalt  }
0x44: {  	_ =	shalt  }
0x45: {  	_ =	shalt  }
0x46: {  	_ =	shalt  }
0x47: {  	_ =	shalt  }
0x48: {  	_ =	shalt  }
0x49: {  	_ =	shalt  }
0x4a: {  	_ =	shalt  }
0x4b: {  	_ =	shalt  }
0x4c: {  	_ =	shalt  }
0x4d: {  	_ =	shalt  }
0x4e: {  	_ =	shalt  }
0x4f: {  	_ =	shalt  }
0x50: {  	_ =	shalt  }
0x51: {  	_ =	shalt  }
0x52: {  	_ =	shalt  }
0x53: {  	_ =	shalt  }
0x54: {  	_ =	shalt  }
0x55: {  	_ =	shalt  }
0x56: {  	_ =	shalt  }
0x57: {  	_ =	shalt  }
0x58: {  	_ =	shalt  }
0x59: {  	_ =	shalt  }
0x5a: {  	_ =	shalt  }
0x5b: {  	_ =	shalt  }
0x5c: {  	_ =	shalt  }
0x5d: {  	_ =	shalt  }
0x5e: {  	_ =	shalt  }
0x5f: {  	_ =	shalt  }
0x60: {  	_ =	shalt  }
0x61: {  	_ =	shalt  }
0x62: {  	_ =	shalt  }
0x63: {  	_ =	shalt  }
0x64: {  	_ =	shalt  }
0x65: {  	_ =	shalt  }
0x66: {  	_ =	shalt  }
0x67: {  	_ =	shalt  }
0x68: {  	_ =	shalt  }
0x69: {  	_ =	shalt  }
0x6a: {  	_ =	shalt  }
0x6b: {  	_ =	shalt  }
0x6c: {  	_ =	shalt  }
0x6d: {  	_ =	shalt  }
0x6e: {  	_ =	shalt  }
0x6f: {  	_ =	shalt  }
0x70: {  	_ =	shalt  }
0x71: {  	_ =	shalt  }
0x72: {  	_ =	shalt  }
0x73: {  	_ =	shalt  }
0x74: {  	_ =	shalt  }
0x75: {  	_ =	shalt  }
0x76: {  	_ =	shalt  }
0x77: {  	_ =	shalt  }
0x78: {  	_ =	shalt  }
0x79: {  	_ =	shalt  }
0x7a: {  	_ =	shalt  }
0x7b: {  	_ =	shalt  }
0x7c: {  	_ =	shalt  }
0x7d: {  	_ =	shalt  }
0x7e: {  	_ =	shalt  }
0x7f: {  	_ =	shalt  }
0x80: {  	_ =	shalt  }
0x81: {  	_ =	shalt  }
0x82: {  	_ =	shalt  }
0x83: {  	_ =	shalt  }
0x84: {  	_ =	shalt  }
0x85: {  	_ =	shalt  }
0x86: {  	_ =	shalt  }
0x87: {  	_ =	shalt  }
.Lfunc_end0:
.L_simem_size_0:
called_computation.3_lowered:
.L_overlay_start_0:
0x88: {  	s2 =	sld [smem:$0x3FD9]  }
0x89: {  	s3 =	sld [smem:$0x3FFE];
	_ =	sdelay $0x1  }
0x8a: {  	s1 =	srdreg.scid  }
0x8b: {  	s0 =	sand.u32 $0x1, s1  }
0x8c: {  	s17 =	sshll.u32 s0, $0xA;
	s2 =	sadd.s32 s3, s2  }
0x8d: {  	s2 =	sadd.s32 s2, s17  }
0x8e: {  	[smem:$0x3FB9] =	sst s2  }
0x8f: {  	_ = 	snop  }
0x90: {  	(tm) =	ssettm $0x1  }
0x91: {  	s18 =	sld [smem:$0x3FFB];
	_ =	sdelay $0x3  }
0x92: {  	_ =	strace s18  }
0x93: {  	s2 =	sld [smem:$0x3FFC];
	_ =	sdelay $0x3  }
0x94: {  	_ =	strace s2  }
0x95: {  	s2 =	sld [smem:$0x3FFD];
	_ =	sdelay $0x3  }
0x96: {  	_ =	strace s2  }
0x97: {  	_ =	strace $0x8FFFFFFF  }
0x98: {  	s19 =	sld [smem:$0x3FDB];
	_ =	sdelay $0x1  }
0x99: {  	s20 =	simm.s32 $_scs_section_size  }
0x9a: {  	s4 =	simm.s32 $_size__tile_overlayer_lowered;
	s5 =	simm.s32 $_tile_overlayer_lowered  }
0x9b: {  	s6 =	simm.s32 $0x1BFF;
	s21 =	sshll.u32 s5, $0x1;
	s3 =	sadd.s32 s20, s19  }
0x9c: {  	s22 =	simm.s32 $0x0;
	s4 =	sshll.u32 s4, $0x1;
	s5 =	sadd.s32 s21, s3  }
0x9d: {  	[timem:s22], [sflag:s6] =	dma.local [hbm:s5], s4  }
0x9e: {  	_ =	swait.ge [sflag:s6], s4  }
0x9f: {  	s4 =	ssub.s32 $0x0, s4;
	[sflag:s6] =	ssyncset.done $0x0  }
0xa0: {  	[sflag:s6] =	ssyncadd.s32 s4;
	_ =	sdelay $0x1  }
0xa1: {  	s23 =	simm.s32 $0x1B8B  }
0xa2: {  	_ =	swait.ge [sflag:s23], $0x1  }
0xa3: {  	[sflag:s23] =	ssyncset.done $0x0  }
0xa4: {  	[sflag:s23] =	ssyncadd.s32 $0xFFFFFFFF  }
0xa5: {  	s4 =	sld [smem:$0x0]  }
0xa6: {  	s5 =	sand.u32 $0xFFFFFFFE, s1  }
0xa7: {  	p0 =	sne.s32 s1, s5  }
0xa8: {  	s5 =	sshll.u32 @p0 s5, $0xE  }
0xa9: {  	s5 =	sadd.s32 @p0 $0x11B8D, s5;
	s6 =	sshll.u32 @p0 s4, $0x11  }
0xaa: {  	s5 =	sor.u32 @p0 s6, s5  }
0xab: {  	[sflag:s5] =	ssyncadd.remote.s32 @p0 $0x1;
	_ =	sdelay $0x1  }
0xac: {  	s5 =	simm.s32 @p0 $0x1B8D  }
0xad: {  	_ =	swait.eq @p0 [sflag:s5], $0x1  }
0xae: {  	[sflag:s5] =	ssyncadd.s32 @p0 $0xFFFFFFFF  }
0xaf: {  	s6 =	sshll.u32 @!p0 s1, $0xE  }
0xb0: {  	s6 =	sor.u32 @!p0 $0x4000, s6;
	s5 =	simm.s32 @!p0 $0x1B8D  }
0xb1: {  	s4 =	sshll.u32 @!p0 s4, $0x11;
	s6 =	sadd.s32 @!p0 $0x11B8D, s6;
	_ =	swait.eq @!p0 [sflag:s5], $0x1  }
0xb2: {  	s4 =	sor.u32 @!p0 s4, s6;
	[sflag:s5] =	ssyncadd.s32 @!p0 $0xFFFFFFFF  }
0xb3: {  	s25 =	simm.s32 $0x1B8E;
	s24 =	sld [smem:$0x3FFE];
	[sflag:s4] =	ssyncadd.remote.s32 @!p0 $0x1  }
0xb4: {  	s26 =	simm.s32 $execute0_lowered;
	[smem:$0x3FD2] =	sst s25  }
0xb5: {  	s5 =	sshll.u32 s26, $0x1;
	_ =	strace $0x8000004C;
	[dreg:$0x1] =	wrdreg $0xFFFFFFFF  }
0xb6: {  	s28 =	simm.s32 $_size_execute0_lowered;
	s3 =	sadd.s32 s3, s5;
	[dreg:$0x0] =	wrdreg $0x0  }
0xb7: {  	s5 =	sshll.u32 s28, $0x1;
	[dreg:$0x2] =	wrdreg s3  }
0xb8: {  	[dreg:$0x3] =	wrdreg s5  }
0xb9: {  	[dreg:$0x4] =	wrdreg $0xC0  }
0xba: {  	_ =	task [dreg:s22], $0x5FFFF  }
0xbb: {  	[dreg:$0x1] =	wrdreg $0xFFFFFFFF  }
0xbc: {  	[dreg:$0x0] =	wrdreg $0x60  }
0xbd: {  	[dreg:$0x2] =	wrdreg s24  }
0xbe: {  	[dreg:$0x3] =	wrdreg $0x65000  }
0xbf: {  	[dreg:$0x4] =	wrdreg $0xA  }
0xc0: {  	_ =	task.clear_ibuf [dreg:s22], $0x5FFFF;
	_ =	strace $0x9000004C  }
0xc1: {  	s29 =	simm.s32 $0xA;
	_ =	strace $0x8000004E  }
0xc2: {  	_ =	swait.ge [sflag:s29], $0x1  }
0xc3: {  	[sflag:s29] =	ssyncadd.s32 $0xFFFFFFFF  }
0xc4: {  	_ =	strace $0x9000004E  }
0xc5: {  	_ =	sfence  }
0xc6: {  	s30 =	sld [smem:$0x0];
	_ =	sdelay $0x2  }
0xc7: {  	s31 =	sshll.u32 s1, $0xD;
	s1 =	sshrl.u32 s1, $0x2  }
0xc8: {  	s4 =	sand.u32 $0x4000, s31;
	s1 =	sadd.s32 s1, s30  }
0xc9: {  	s0 =	sor.u32 s4, s0;
	s1 =	sshll.u32 s1, $0x11  }
0xca: {  	s0 =	sor.u32 s1, s0  }
0xcb: {  	s0 =	sadd.s32 $0x8F2B, s0  }
0xcc: {  	[sflag:s0] =	ssyncadd.remote.s32 $0x1  }
0xcd: {  	_ =	sfence.sel $0xFFFF  }
0xce: {  	[dreg:$0x0] =	wrdreg $0xFFFFFFFF;
	(pc) =	sbr.abs _section_cstart, $3  }
0xcf: {  	[dreg:$0x1] =	wrdreg $0xFFFFFFFF  }
0xd0: {  	_ =	task.clear_ibuf [dreg:s22], $0x2FFFF;
	_ =	strace $0x9FFFFFFF  }
0xd1: {  	(tm) =	ssettm $0x7FFFFFFF  }
tec
execute0_lowered:
.L_overlay_start_1:
0x0: {  	(tag) =	ssettag $0x1  }
0x1: {  	s0 =	srdreg.scid;
	s5 =	rddreg [dreg:$0x0]  }
0x2: {  	s7 =	stileid.u32;
	s1 =	rddreg [dreg:$0x1]  }
0x3: {  	s2 =	simm.s32 $0x0;
	s11 =	simm.s32 $0xC8;
	s6 =	smul.u32 $0x1388, s7  }
0x4: {  	s3 =	sand.u32 $0x1, s0;
	s0 =	rddreg [dreg:$0x2];
	s10 =	smul.u32 $0x13880, s7  }
0x5: {  	s12 =	simm.s32 $0x0;
	[smem:$0x7FF] =	sst s2;
	s4 =	smul.u32 $0x13880, s3  }
0x6: {  	p0 =	sne.s32 s7, $0x0;
	s29 =	smul.u32 $0x138800, s3;
	_ =	strace $0x8000004D  }
0x7: {  	s30 =	smul.u32 $0x27100, s3;
	s9 =	ssub.s32 $0x2, s3;
	s3 =	sadd.s32 $0xA79E00, s5  }
0x8: {  	s31 =	sshrl.u32 s9, $0x1;
	s4 =	sadd.s32 s6, s4;
	s6 =	sadd.s32 s29, s5  }
0x9: {  	s4 =	sshrl.u32 s4, $0x3;
	s6 =	sadd.s32 s10, s6;
	s10 =	simm.s32 $0x100  }
0xa: {  	s8 =	sadd.s32 s4, s5;
	s4 =	sadd.s32 s30, s5;
	s5 =	ssub.s32 s9, s31  }
0xb: {  	s6 =	sadd.s32 $0xCEB000, s6;
	s9 =	simm.s32 $0x1;
	s4 =	sadd.s32 $0xAA1000, s4  }
0xc: {  	s5 =	smax.u32 s5, $0x1;
	s7 =	sadd.s32 $0x2CA00, s8;
	s8 =	sshrl.u32 @!p0 s1, $0x3  }
.LBB2_1:
0xd: {  	s13 =	simm.s32 @!p0 $0x1C01  }
0xe: {  	[spmem:s8], [sflag:s13] =	dma.local @!p0 [hbm:s3], $0x27100  }
0xf: {  	s13 =	simm.s32 @!p0 $0x1  }
0x10: {  	_ =	swait.ge @!p0 [sflag:s13], $0x27100  }
0x11: {  	[sflag:s13] =	ssyncset.done @!p0 $0x0  }
0x12: {  	[sflag:s13] =	ssyncadd.s32 @!p0 $0xFFFD8F00  }
0x13: {  	s31 =	sadd.s32 $0x0, s7;
	[bflag:$0x0] =	sbarrier.arrive $0xFFFF  }
0x14: {  	[tilespmem:s2], [sflag:$0x1] =	stream.linear.gather [hbm4b:s31+s2], $0xC8, $0x38;
	[tilespmem:$0x19D80] =	vst v63  }
0x15: {  	_ =	swait.ge [sflag:s9], $0xC8  }
0x16: {  	[sflag:s9] =	ssyncset.done $0x0  }
0x17: {  	[sflag:s9] =	ssyncadd.s32 $0xFFFFFF38  }
0x18: {  	[tilespmem:s10], [sflag:$0x1] =	stream.linear.gather [hbm4b:s6+s2], $0x6400, $0x38;
	[tilespmem:$0x19D80] =	vst v63  }
0x19: {  	_ =	swait.ge [sflag:s9], $0x6400  }
0x1a: {  	[sflag:s9] =	ssyncset.done $0x0  }
0x1b: {  	[sflag:s9] =	ssyncadd.s32 $0xFFFF9C00  }
0x1c: {  	[spmem:s1] =	stream.indirect.scatter.add.f32 [tilespmem:s10], [sflag:$0x1], $0x80, s2, s11, $0xb8;
	[tilespmem:$0x19D80] =	vst v63  }
0x1d: {  	s14 =	simm.s32 $0x19;
	_ =	swait.ge [sflag:s9], $0x6400  }
0x1e: {  	s15 =	simm.s32 $0x32;
	s13 =	sadd.s32 $0xC80, s6;
	[sflag:s9] =	ssyncset.done $0x0  }
.LBB2_2:
0x1f: {  	s16 =	sadd.s32 s14, s7  }
0x20: {  	[sflag:s9] =	ssyncadd.s32 $0xFFFF9C00;
	s14 =	smov.u32 s15;
	s17 =	sadd.s32 $0x19, s15  }
0x21: {  	[tilespmem:s2], [sflag:$0x1] =	stream.linear.gather [hbm4b:s16+s2], $0xC8, $0x38;
	[tilespmem:$0x19D80] =	vst v63  }
0x22: {  	p1 =	sne.s32 s15, $0x258;
	_ =	swait.ge [sflag:s9], $0xC8  }
0x23: {  	[sflag:s9] =	ssyncset.done $0x0  }
0x24: {  	[sflag:s9] =	ssyncadd.s32 $0xFFFFFF38  }
0x25: {  	[tilespmem:s10], [sflag:$0x1] =	stream.linear.gather [hbm4b:s13+s2], $0x6400, $0x38;
	[tilespmem:$0x19D80] =	vst v63  }
0x26: {  	_ =	swait.ge [sflag:s9], $0x6400  }
.Ltmp0:
0x27: {  	[sflag:s9] =	ssyncset.done $0x0;
	(pc) =	sbr.rel @p1 .LBB2_2-.Ltmp0, $4  }
0x28: {  	[sflag:s9] =	ssyncadd.s32 $0xFFFF9C00  }
0x29: {  	[spmem:s1] =	stream.indirect.scatter.add.f32 [tilespmem:s10], [sflag:$0x1], $0x80, s2, s11, $0xb8;
	[tilespmem:$0x19D80] =	vst v63  }
0x2a: {  	_ =	swait.ge [sflag:s9], $0x6400  }
0x2b: {  	s15 =	smov.u32 s17;
	s13 =	sadd.s32 $0xC80, s13;
	[sflag:s9] =	ssyncset.done $0x0  }
0x2c: {  	s14 =	sadd.s32 s14, s7;
	[sflag:s9] =	ssyncadd.s32 $0xFFFF9C00  }
0x2d: {  	[tilespmem:s2], [sflag:$0x1] =	stream.linear.gather [hbm4b:s14+s2], $0xC8, $0x38;
	[tilespmem:$0x19D80] =	vst v63  }
0x2e: {  	_ =	swait.ge [sflag:s9], $0xC8  }
0x2f: {  	[sflag:s9] =	ssyncset.done $0x0  }
0x30: {  	[sflag:s9] =	ssyncadd.s32 $0xFFFFFF38  }
0x31: {  	[tilespmem:s10], [sflag:$0x1] =	stream.linear.gather [hbm4b:s13+s2], $0x6400, $0x38;
	[tilespmem:$0x19D80] =	vst v63  }
0x32: {  	_ =	swait.ge [sflag:s9], $0x6400  }
0x33: {  	[sflag:s9] =	ssyncset.done $0x0  }
0x34: {  	[sflag:s9] =	ssyncadd.s32 $0xFFFF9C00  }
0x35: {  	[spmem:s1] =	stream.indirect.scatter.add.f32 [tilespmem:s10], [sflag:$0x1], $0x80, s2, s11, $0xb8;
	[tilespmem:$0x19D80] =	vst v63  }
0x36: {  	_ =	swait.ge [sflag:s9], $0x6400  }
0x37: {  	[sflag:s9] =	ssyncset.done $0x0  }
0x38: {  	s12 =	sadd.s32 $0x1, s12;
	[sflag:s9] =	ssyncadd.s32 $0xFFFF9C00  }
0x39: {  	p1 =	sne.s32 s12, s5;
	s13 =	simm.s32 @!p0 $0x1C01;
	[bflag:$0x0] =	sbarrier.arrive $0xFFFF  }
0x3a: {  	[hbm:s4], [sflag:s13] =	dma.local @!p0 [spmem:s8], $0x27100  }
.Ltmp1:
0x3b: {  	_ = 	snop;
	(pc) =	sbr.rel @p1 .LBB2_1-.Ltmp1, $4  }
0x3c: {  	s13 =	simm.s32 @!p0 $0x1  }
0x3d: {  	_ =	swait.ge @!p0 [sflag:s13], $0x27100  }
0x3e: {  	[sflag:s13] =	ssyncset.done @!p0 $0x0  }
0x3f: {  	[sflag:s13] =	ssyncadd.s32 @!p0 $0xFFFD8F00  }
0x40: {  	_ =	sfence.sel $0x180000  }
0x41: {  	[bflag:$0x0] =	sbarrier.arrive $0xFFFF  }
0x42: {  	_ =	strace $0x9000004D  }
0x43: {  	s0 =	sadd.s32 @!p0 $0x100000, s0;
	[bflag:$0x2] =	sbarrier.arrive $0xFFFF  }
0x44: {  	[sflag:s0] =	ssyncadd.tile.s32 @!p0 $0x1;
	_ =	shalt  }
.Lfunc_end2:
_tile_overlayer_lowered:
.L_overlay_start_2:
0x45: {  	(tag) =	ssettag $0x2  }
0x46: {  	s0 =	rddreg [dreg:$0x0];
	s2 =	stileid.u32  }
0x47: {  	s1 =	rddreg [dreg:$0x1];
	p0 =	sne.s32 s2, $0x0  }
0x48: {  	s3 =	rddreg [dreg:$0x2];
	[bflag:$0x3] =	sbarrier.arrive $0xFFFF;
	s2 =	simm.s32 @!p0 $0x1C01  }
0x49: {  	[timem:s3], [sflag:s2] =	dma.local @!p0 [hbm:s0], s1  }
0x4a: {  	s0 =	simm.s32 @!p0 $0x1  }
0x4b: {  	_ =	swait.ge @!p0 [sflag:s0], s1  }
0x4c: {  	s1 =	ssub.s32 @!p0 $0x0, s1;
	[sflag:s0] =	ssyncset.done @!p0 $0x0  }
0x4d: {  	[sflag:s0] =	ssyncadd.s32 @!p0 s1  }
0x4e: {  	[bflag:$0x3] =	sbarrier.arrive $0xFFFF  }
0x4f: {  	_ =	shalt  }

// kernel: kernel.9.cloned.1.call-start
scs
__scs_entry_jumppad:
0x0: {  	(pc) =	sbr.rel $0x88, $3  }
0x1: {  	(tag) =	ssettag $0x0;
	lr =	simm.s32 $0x1  }
0x2: {  	[smem:$0x3F92] =	sst lr;
	_ =	strace $0xD0000000  }
0x3: {  	_ = 	snop  }
0x4: {  	_ = 	snop  }
0x5: {  	_ = 	snop  }
0x6: {  	_ = 	snop  }
0x7: {  	_ = 	snop  }
__scs_overlays_trampoline_lowered:
0x8: {  	[smem:$0x3FA1] =	sst s0  }
0x9: {  	[smem:$0x3FA2] =	sst s1  }
0xa: {  	[smem:$0x3FA3] =	sst s2  }
0xb: {  	[smem:$0x3FA4] =	sst s3  }
0xc: {  	[smem:$0x3FA5] =	sst s4  }
0xd: {  	[smem:$0x3FA6] =	sst s5  }
0xe: {  	[smem:$0x3FA7] =	sst s6  }
0xf: {  	[smem:$0x3FA8] =	sst s7  }
0x10: {  	[smem:$0x3FA9] =	sst s8  }
0x11: {  	[smem:$0x3FAA] =	sst s9;
	s0 =	simm.s32 @!p0 $0x0  }
0x12: {  	s1 =	sld [smem:$0x3F90];
	s0 =	simm.s32 @p0 $0x1  }
0x13: {  	[smem:$0x3FAB] =	sst s0;
	s0 =	simm.s32 @!p1 $0x0  }
0x14: {  	s2 =	sld [smem:$0x3F8F];
	s0 =	simm.s32 @p1 $0x1  }
0x15: {  	[smem:$0x3FAC] =	sst s0;
	s0 =	simm.s32 @!p2 $0x0  }
0x16: {  	s3 =	sld [smem:$0x3FDB];
	s0 =	simm.s32 @p2 $0x1  }
0x17: {  	s4 =	simm.s32 $0x1BF5;
	[smem:$0x3FAE] =	sst s0  }
0x18: {  	s0 =	sld [smem:$0x3F91];
	_ =	swait.ge [sflag:s4], $0x0  }
0x19: {  	s7 =	sld [smem:$0x3F92]  }
0x1a: {  	s8 =	sadd.s32 $0xFFFFE003, lr  }
0x1b: {  	s9 =	sadd.s32 $0xFFFFFEF7, lr;
	s5 =	simm.s32 $0xFFFFFFFF;
	p2 =	slt.u32 s8, $0xFFFFF086  }
0x1c: {  	p1 =	slt.u32 s9, $0xF7A;
	s5 =	simm.s32 @!p2 $0x0  }
0x1d: {  	s5 =	simm.s32 @p1 $0x1;
	p0 =	seq.s32 s7, s2  }
0x1e: {  	s7 =	smul.u32 @!p0 $0xF7A, s2;
	p2 =	seq.s32 @!p0 s5, $0x0  }
0x1f: {  	s9 =	smul.u32 $0xF7A, s1;
	s8 =	simm.s32 @!p0 $0x1BF5;
	p2 =	por !p2, p0  }
0x20: {  	[sflag:s8] =	ssyncset.s32 @!p0 $0xFFFFF086;
	s6 =	sadd.s32 @!p0 s3, s7;
	s7 =	simm.s32 @!p0 $0x108  }
0x21: {  	s3 =	sadd.s32 s3, s9;
	s6 =	sadd.s32 @!p0 $0x88, s6;
	s7 =	simm.s32 @p2 $0x1082  }
0x22: {  	[simem:s7], [sflag:s8] =	dma.local @!p0 [hbm:s6], $0xF7A  }
0x23: {  	s9 =	sor.u32 $0xD0000000, s2;
	s6 =	simm.s32 $0x108;
	_ =	swait.ge @!p0 [sflag:s8], $0x0  }
0x24: {  	s3 =	sadd.s32 $0x88, s3;
	s6 =	simm.s32 @!p1 $0x1082;
	[sflag:s4] =	ssyncset.s32 $0xFFFFF086  }
0x25: {  	[simem:s6], [sflag:s4] =	dma.local [hbm:s3], $0xF7A  }
0x26: {  	[smem:$0x3F92] =	sst s1;
	(tag) =	ssettag s2;
	_ =	strace s9  }
0x27: {  	s1 =	sld [smem:$0x3FA2]  }
0x28: {  	s2 =	sld [smem:$0x3FA3]  }
0x29: {  	s4 =	sld [smem:$0x3FA5]  }
0x2a: {  	p0 =	seq.s32 s5, $0x0;
	s5 =	sld [smem:$0x3FA6]  }
0x2b: {  	s6 =	sld [smem:$0x3FA7]  }
0x2c: {  	s7 =	sld [smem:$0x3FA8]  }
0x2d: {  	s3 =	simm.s32 $0x108;
	s8 =	sld [smem:$0x3FA9]  }
0x2e: {  	s3 =	simm.s32 @!p0 $0x1082;
	s9 =	sld [smem:$0x3FAA]  }
0x2f: {  	lr =	sadd.s32 s0, s3;
	s0 =	sld [smem:$0x3FA1]  }
0x30: {  	s3 =	sld [smem:$0x3FA4]  }
0x31: {  	[smem:$0x3FAD] =	sst s10  }
0x32: {  	s10 =	sld [smem:$0x3FAB];
	_ =	sdelay $0x3  }
0x33: {  	p0 =	seq.s32 s10, $0x1;
	s10 =	sld [smem:$0x3FAD];
	_ =	sdelay $0x3  }
0x34: {  	[smem:$0x3FAD] =	sst s10  }
0x35: {  	s10 =	sld [smem:$0x3FAC];
	_ =	sdelay $0x3  }
0x36: {  	p1 =	seq.s32 s10, $0x1;
	s10 =	sld [smem:$0x3FAD];
	_ =	sdelay $0x3  }
0x37: {  	[smem:$0x3FAD] =	sst s10  }
0x38: {  	s10 =	sld [smem:$0x3FAE]  }
0x39: {  	_ = 	snop;
	(pc) =	sbr.ind lr, $3  }
0x3a: {  	_ = 	snop  }
0x3b: {  	_ = 	snop  }
0x3c: {  	p2 =	seq.s32 s10, $0x1;
	s10 =	sld [smem:$0x3FAD]  }
0x3d: {  	_ =	shalt  }
0x3e: {  	_ =	shalt  }
0x3f: {  	_ =	shalt  }
0x40: {  	_ =	shalt  }
0x41: {  	_ =	shalt  }
0x42: {  	_ =	shalt  }
0x43: {  	_ =	shalt  }
0x44: {  	_ =	shalt  }
0x45: {  	_ =	shalt  }
0x46: {  	_ =	shalt  }
0x47: {  	_ =	shalt  }
0x48: {  	_ =	shalt  }
0x49: {  	_ =	shalt  }
0x4a: {  	_ =	shalt  }
0x4b: {  	_ =	shalt  }
0x4c: {  	_ =	shalt  }
0x4d: {  	_ =	shalt  }
0x4e: {  	_ =	shalt  }
0x4f: {  	_ =	shalt  }
0x50: {  	_ =	shalt  }
0x51: {  	_ =	shalt  }
0x52: {  	_ =	shalt  }
0x53: {  	_ =	shalt  }
0x54: {  	_ =	shalt  }
0x55: {  	_ =	shalt  }
0x56: {  	_ =	shalt  }
0x57: {  	_ =	shalt  }
0x58: {  	_ =	shalt  }
0x59: {  	_ =	shalt  }
0x5a: {  	_ =	shalt  }
0x5b: {  	_ =	shalt  }
0x5c: {  	_ =	shalt  }
0x5d: {  	_ =	shalt  }
0x5e: {  	_ =	shalt  }
0x5f: {  	_ =	shalt  }
0x60: {  	_ =	shalt  }
0x61: {  	_ =	shalt  }
0x62: {  	_ =	shalt  }
0x63: {  	_ =	shalt  }
0x64: {  	_ =	shalt  }
0x65: {  	_ =	shalt  }
0x66: {  	_ =	shalt  }
0x67: {  	_ =	shalt  }
0x68: {  	_ =	shalt  }
0x69: {  	_ =	shalt  }
0x6a: {  	_ =	shalt  }
0x6b: {  	_ =	shalt  }
0x6c: {  	_ =	shalt  }
0x6d: {  	_ =	shalt  }
0x6e: {  	_ =	shalt  }
0x6f: {  	_ =	shalt  }
0x70: {  	_ =	shalt  }
0x71: {  	_ =	shalt  }
0x72: {  	_ =	shalt  }
0x73: {  	_ =	shalt  }
0x74: {  	_ =	shalt  }
0x75: {  	_ =	shalt  }
0x76: {  	_ =	shalt  }
0x77: {  	_ =	shalt  }
0x78: {  	_ =	shalt  }
0x79: {  	_ =	shalt  }
0x7a: {  	_ =	shalt  }
0x7b: {  	_ =	shalt  }
0x7c: {  	_ =	shalt  }
0x7d: {  	_ =	shalt  }
0x7e: {  	_ =	shalt  }
0x7f: {  	_ =	shalt  }
0x80: {  	_ =	shalt  }
0x81: {  	_ =	shalt  }
0x82: {  	_ =	shalt  }
0x83: {  	_ =	shalt  }
0x84: {  	_ =	shalt  }
0x85: {  	_ =	shalt  }
0x86: {  	_ =	shalt  }
0x87: {  	_ =	shalt  }
.Lfunc_end0:
.L_simem_size_0:
called_computation_lowered:
.L_overlay_start_0:
0x88: {  	s2 =	sld [smem:$0x3FD9]  }
0x89: {  	s3 =	sld [smem:$0x3FFE];
	_ =	sdelay $0x1  }
0x8a: {  	s1 =	srdreg.scid  }
0x8b: {  	s0 =	sand.u32 $0x1, s1  }
0x8c: {  	s17 =	sshll.u32 s0, $0xA;
	s2 =	sadd.s32 s3, s2  }
0x8d: {  	s2 =	sadd.s32 s2, s17  }
0x8e: {  	[smem:$0x3FB9] =	sst s2  }
0x8f: {  	_ = 	snop  }
0x90: {  	(tm) =	ssettm $0x1  }
0x91: {  	s18 =	sld [smem:$0x3FFB];
	_ =	sdelay $0x3  }
0x92: {  	_ =	strace s18  }
0x93: {  	s2 =	sld [smem:$0x3FFC];
	_ =	sdelay $0x3  }
0x94: {  	_ =	strace s2  }
0x95: {  	s2 =	sld [smem:$0x3FFD];
	_ =	sdelay $0x3  }
0x96: {  	_ =	strace s2  }
0x97: {  	_ =	strace $0x8FFFFFFF  }
0x98: {  	s19 =	sld [smem:$0x3FDB];
	_ =	sdelay $0x1  }
0x99: {  	s20 =	simm.s32 $_scs_section_size  }
0x9a: {  	s4 =	simm.s32 $_size__tile_overlayer_lowered;
	s5 =	simm.s32 $_tile_overlayer_lowered  }
0x9b: {  	s6 =	simm.s32 $0x1BFF;
	s21 =	sshll.u32 s5, $0x1;
	s3 =	sadd.s32 s20, s19  }
0x9c: {  	s22 =	simm.s32 $0x0;
	s4 =	sshll.u32 s4, $0x1;
	s5 =	sadd.s32 s21, s3  }
0x9d: {  	[timem:s22], [sflag:s6] =	dma.local [hbm:s5], s4  }
0x9e: {  	_ =	swait.ge [sflag:s6], s4  }
0x9f: {  	s4 =	ssub.s32 $0x0, s4;
	[sflag:s6] =	ssyncset.done $0x0  }
0xa0: {  	[sflag:s6] =	ssyncadd.s32 s4;
	_ =	sdelay $0x1  }
0xa1: {  	s23 =	simm.s32 $0x1B8B  }
0xa2: {  	_ =	swait.ge [sflag:s23], $0x1  }
0xa3: {  	[sflag:s23] =	ssyncset.done $0x0  }
0xa4: {  	[sflag:s23] =	ssyncadd.s32 $0xFFFFFFFF  }
0xa5: {  	s4 =	sld [smem:$0x0]  }
0xa6: {  	s5 =	sand.u32 $0xFFFFFFFE, s1  }
0xa7: {  	p0 =	sne.s32 s1, s5  }
0xa8: {  	s5 =	sshll.u32 @p0 s5, $0xE  }
0xa9: {  	s5 =	sadd.s32 @p0 $0x11B8D, s5;
	s6 =	sshll.u32 @p0 s4, $0x11  }
0xaa: {  	s5 =	sor.u32 @p0 s6, s5  }
0xab: {  	[sflag:s5] =	ssyncadd.remote.s32 @p0 $0x1;
	_ =	sdelay $0x1  }
0xac: {  	s5 =	simm.s32 @p0 $0x1B8D  }
0xad: {  	_ =	swait.eq @p0 [sflag:s5], $0x1  }
0xae: {  	[sflag:s5] =	ssyncadd.s32 @p0 $0xFFFFFFFF  }
0xaf: {  	s6 =	sshll.u32 @!p0 s1, $0xE  }
0xb0: {  	s6 =	sor.u32 @!p0 $0x4000, s6;
	s5 =	simm.s32 @!p0 $0x1B8D  }
0xb1: {  	s4 =	sshll.u32 @!p0 s4, $0x11;
	s6 =	sadd.s32 @!p0 $0x11B8D, s6;
	_ =	swait.eq @!p0 [sflag:s5], $0x1  }
0xb2: {  	s4 =	sor.u32 @!p0 s4, s6;
	[sflag:s5] =	ssyncadd.s32 @!p0 $0xFFFFFFFF  }
0xb3: {  	s25 =	simm.s32 $0x1B8E;
	s24 =	sld [smem:$0x3FFE];
	[sflag:s4] =	ssyncadd.remote.s32 @!p0 $0x1  }
0xb4: {  	s26 =	simm.s32 $execute0_lowered;
	[smem:$0x3FD2] =	sst s25  }
0xb5: {  	s5 =	sshll.u32 s26, $0x1;
	_ =	strace $0x80000049;
	[dreg:$0x1] =	wrdreg $0xFFFFFFFF  }
0xb6: {  	s28 =	simm.s32 $_size_execute0_lowered;
	s3 =	sadd.s32 s3, s5;
	[dreg:$0x0] =	wrdreg $0x0  }
0xb7: {  	s5 =	sshll.u32 s28, $0x1;
	[dreg:$0x2] =	wrdreg s3  }
0xb8: {  	[dreg:$0x3] =	wrdreg s5  }
0xb9: {  	[dreg:$0x4] =	wrdreg $0xC0  }
0xba: {  	_ =	task [dreg:s22], $0x5FFFF  }
0xbb: {  	[dreg:$0x1] =	wrdreg $0xFFFFFFFF  }
0xbc: {  	[dreg:$0x0] =	wrdreg $0x60  }
0xbd: {  	[dreg:$0x2] =	wrdreg s24  }
0xbe: {  	[dreg:$0x3] =	wrdreg $0x9  }
0xbf: {  	_ =	task.clear_ibuf [dreg:s22], $0x4FFFF;
	_ =	strace $0x90000049  }
0xc0: {  	s29 =	simm.s32 $0x9;
	_ =	strace $0x8000004B  }
0xc1: {  	_ =	swait.ge [sflag:s29], $0x1  }
0xc2: {  	[sflag:s29] =	ssyncadd.s32 $0xFFFFFFFF  }
0xc3: {  	_ =	strace $0x9000004B  }
0xc4: {  	_ =	sfence  }
0xc5: {  	s30 =	sld [smem:$0x0];
	_ =	sdelay $0x2  }
0xc6: {  	s31 =	sshll.u32 s1, $0xD;
	s1 =	sshrl.u32 s1, $0x2  }
0xc7: {  	s4 =	sand.u32 $0x4000, s31;
	s1 =	sadd.s32 s1, s30  }
0xc8: {  	s0 =	sor.u32 s4, s0;
	s1 =	sshll.u32 s1, $0x11  }
0xc9: {  	s0 =	sor.u32 s1, s0  }
0xca: {  	s0 =	sadd.s32 $0x8F2B, s0  }
0xcb: {  	[sflag:s0] =	ssyncadd.remote.s32 $0x1  }
0xcc: {  	_ =	sfence.sel $0xFFFF  }
0xcd: {  	[dreg:$0x0] =	wrdreg $0xFFFFFFFF;
	(pc) =	sbr.abs _section_cstart, $3  }
0xce: {  	[dreg:$0x1] =	wrdreg $0xFFFFFFFF  }
0xcf: {  	_ =	task.clear_ibuf [dreg:s22], $0x2FFFF;
	_ =	strace $0x9FFFFFFF  }
0xd0: {  	(tm) =	ssettm $0x7FFFFFFF  }
0xd1: {  	_ =	shalt  }
tec
execute0_lowered:
.L_overlay_start_1:
0x0: {  	(tag) =	ssettag $0x1  }
0x1: {  	s4 =	rddreg [dreg:$0x0]  }
0x2: {  	s0 =	rddreg [dreg:$0x1];
	s3 =	srdreg.scid  }
0x3: {  	s1 =	stileid.u32;
	s2 =	simm.s32 $0x0;
	s11 =	simm.s32 $0xC8  }
0x4: {  	s12 =	simm.s32 $0x200;
	s13 =	simm.s32 $0x6600;
	s6 =	smul.u32 $0x2710, s1  }
0x5: {  	s14 =	simm.s32 $0x1;
	s5 =	sand.u32 $0x1, s3;
	s8 =	smul.u32 $0x27100, s1  }
0x6: {  	s15 =	simm.s32 $0x0;
	[smem:$0x7FF] =	sst s2;
	s7 =	smul.u32 $0x1388, s5  }
0x7: {  	s3 =	sadd.s32 $0x36A00, s4;
	s29 =	ssub.s32 $0x2, s5;
	s5 =	smul.u32 $0x13880, s5  }
0x8: {  	_ =	strace $0x8000004A;
	s8 =	sadd.s32 s8, s4;
	s9 =	sshrl.u32 s29, $0x1  }
0x9: {  	s6 =	sadd.s32 s7, s6;
	s30 =	ssub.s32 s29, s9;
	s31 =	sadd.s32 s5, s8  }
0xa: {  	s9 =	simm.s32 $0x2;
	s6 =	sshrl.u32 s6, $0x3;
	s5 =	sadd.s32 $0x549C00, s31  }
0xb: {  	s10 =	sadd.s32 s6, s4;
	s4 =	smax.u32 s30, $0x1;
	s6 =	sadd.s32 $0x7BAC00, s31  }
0xc: {  	s7 =	sadd.s32 $0x544C00, s10;
	s8 =	sadd.s32 $0x53FC00, s10;
	s10 =	simm.s32 $0x100  }
.LBB2_1:
0xd: {  	s16 =	sadd.s32 $0x0, s8  }
0xe: {  	[tilespmem:s2], [sflag:$0x2] =	stream.linear.gather [hbm4b:s16+s2], $0xC8, $0x38;
	[tilespmem:$0xCA00] =	vst v63  }
0xf: {  	_ =	swait.ge [sflag:s9], $0xC8  }
0x10: {  	[sflag:s9] =	ssyncset.done $0x0  }
0x11: {  	s31 =	sadd.s32 $0x0, s7;
	[sflag:s9] =	ssyncadd.s32 $0xFFFFFF38  }
0x12: {  	[tilespmem:s10], [sflag:$0x2] =	stream.linear.gather [hbm4b:s31+s2], $0xC8, $0x38;
	[tilespmem:$0xCA00] =	vst v63  }
0x13: {  	_ =	swait.ge [sflag:s9], $0xC8  }
0x14: {  	[sflag:s9] =	ssyncset.done $0x0  }
0x15: {  	[sflag:s9] =	ssyncadd.s32 $0xFFFFFF38  }
0x16: {  	[tilespmem:s12], [sflag:$0x1] =	stream.indirect.gather [hbm4b:s3+s11], $0x80, s2, s11, $0xb8;
	[tilespmem:$0xCA00] =	vst v63  }
0x17: {  	_ = 	snop  }
0x18: {  	[tilespmem:s13], [sflag:$0x1] =	stream.indirect.gather [hbm4b:s3+s11], $0x80, s10, s11, $0xb8;
	[tilespmem:$0xCA00] =	vst v63  }
0x19: {  	_ =	swait.ge [sflag:s14], $0x6400  }
0x1a: {  	[sflag:s14] =	ssyncset.done $0x0  }
0x1b: {  	[sflag:s14] =	ssyncadd.s32 $0xFFFF9C00  }
0x1c: {  	_ =	swait.ge [sflag:s14], $0x6400  }
0x1d: {  	[sflag:s14] =	ssyncset.done $0x0  }
0x1e: {  	[sflag:s14] =	ssyncadd.s32 $0xFFFF9C00  }
0x1f: {  	[hbm4b:s5+s2] =	stream.linear.scatter [tilespmem:s12], [sflag:$0x2], $0x6400, $0x38;
	[tilespmem:$0xCA00] =	vst v63  }
0x20: {  	_ =	swait.ge [sflag:s9], $0x6400  }
0x21: {  	[sflag:s9] =	ssyncset.done $0x0  }
0x22: {  	[sflag:s9] =	ssyncadd.s32 $0xFFFF9C00  }
0x23: {  	[hbm4b:s6+s2] =	stream.linear.scatter [tilespmem:s13], [sflag:$0x2], $0x6400, $0x38;
	[tilespmem:$0xCA00] =	vst v63  }
0x24: {  	s18 =	simm.s32 $0x19;
	s19 =	simm.s32 $0x32;
	_ =	swait.ge [sflag:s9], $0x6400  }
0x25: {  	s17 =	sadd.s32 $0xC80, s5;
	s16 =	sadd.s32 $0xC80, s6;
	[sflag:s9] =	ssyncset.done $0x0  }
.LBB2_2:
0x26: {  	s20 =	sadd.s32 s18, s8  }
0x27: {  	[sflag:s9] =	ssyncadd.s32 $0xFFFF9C00;
	s21 =	smov.u32 s19;
	s22 =	sadd.s32 $0x19, s19  }
0x28: {  	[tilespmem:s2], [sflag:$0x2] =	stream.linear.gather [hbm4b:s20+s2], $0xC8, $0x38;
	[tilespmem:$0xCA00] =	vst v63  }
0x29: {  	p0 =	sne.s32 s19, $0x258;
	_ =	swait.ge [sflag:s9], $0xC8  }
0x2a: {  	[sflag:s9] =	ssyncset.done $0x0  }
0x2b: {  	s19 =	sadd.s32 s18, s7;
	s18 =	smov.u32 s21;
	[sflag:s9] =	ssyncadd.s32 $0xFFFFFF38  }
0x2c: {  	[tilespmem:s10], [sflag:$0x2] =	stream.linear.gather [hbm4b:s19+s2], $0xC8, $0x38;
	[tilespmem:$0xCA00] =	vst v63  }
0x2d: {  	_ =	swait.ge [sflag:s9], $0xC8  }
0x2e: {  	[sflag:s9] =	ssyncset.done $0x0  }
0x2f: {  	[sflag:s9] =	ssyncadd.s32 $0xFFFFFF38  }
0x30: {  	[tilespmem:s12], [sflag:$0x1] =	stream.indirect.gather [hbm4b:s3+s11], $0x80, s2, s11, $0xb8;
	[tilespmem:$0xCA00] =	vst v63  }
0x31: {  	_ = 	snop  }
0x32: {  	[tilespmem:s13], [sflag:$0x1] =	stream.indirect.gather [hbm4b:s3+s11], $0x80, s10, s11, $0xb8;
	[tilespmem:$0xCA00] =	vst v63  }
0x33: {  	_ =	swait.ge [sflag:s14], $0x6400  }
0x34: {  	[sflag:s14] =	ssyncset.done $0x0  }
0x35: {  	[sflag:s14] =	ssyncadd.s32 $0xFFFF9C00  }
0x36: {  	_ =	swait.ge [sflag:s14], $0x6400  }
0x37: {  	[sflag:s14] =	ssyncset.done $0x0  }
0x38: {  	[sflag:s14] =	ssyncadd.s32 $0xFFFF9C00  }
0x39: {  	[hbm4b:s17+s2] =	stream.linear.scatter [tilespmem:s12], [sflag:$0x2], $0x6400, $0x38;
	[tilespmem:$0xCA00] =	vst v63  }
0x3a: {  	_ =	swait.ge [sflag:s9], $0x6400  }
.Ltmp0:
0x3b: {  	[sflag:s9] =	ssyncset.done $0x0;
	(pc) =	sbr.rel @p0 .LBB2_2-.Ltmp0, $4  }
0x3c: {  	[sflag:s9] =	ssyncadd.s32 $0xFFFF9C00  }
0x3d: {  	[hbm4b:s16+s2] =	stream.linear.scatter [tilespmem:s13], [sflag:$0x2], $0x6400, $0x38;
	[tilespmem:$0xCA00] =	vst v63  }
0x3e: {  	s19 =	smov.u32 s22;
	_ =	swait.ge [sflag:s9], $0x6400  }
0x3f: {  	s17 =	sadd.s32 $0xC80, s17;
	s16 =	sadd.s32 $0xC80, s16;
	[sflag:s9] =	ssyncset.done $0x0  }
0x40: {  	s19 =	sadd.s32 s18, s8;
	[sflag:s9] =	ssyncadd.s32 $0xFFFF9C00  }
0x41: {  	[tilespmem:s2], [sflag:$0x2] =	stream.linear.gather [hbm4b:s19+s2], $0xC8, $0x38;
	[tilespmem:$0xCA00] =	vst v63  }
0x42: {  	_ =	swait.ge [sflag:s9], $0xC8  }
0x43: {  	[sflag:s9] =	ssyncset.done $0x0  }
0x44: {  	s31 =	sadd.s32 s18, s7;
	[sflag:s9] =	ssyncadd.s32 $0xFFFFFF38  }
0x45: {  	[tilespmem:s10], [sflag:$0x2] =	stream.linear.gather [hbm4b:s31+s2], $0xC8, $0x38;
	[tilespmem:$0xCA00] =	vst v63  }
0x46: {  	_ =	swait.ge [sflag:s9], $0xC8  }
0x47: {  	[sflag:s9] =	ssyncset.done $0x0  }
0x48: {  	[sflag:s9] =	ssyncadd.s32 $0xFFFFFF38  }
0x49: {  	[tilespmem:s12], [sflag:$0x1] =	stream.indirect.gather [hbm4b:s3+s11], $0x80, s2, s11, $0xb8;
	[tilespmem:$0xCA00] =	vst v63  }
0x4a: {  	_ = 	snop  }
0x4b: {  	[tilespmem:s13], [sflag:$0x1] =	stream.indirect.gather [hbm4b:s3+s11], $0x80, s10, s11, $0xb8;
	[tilespmem:$0xCA00] =	vst v63  }
0x4c: {  	_ =	swait.ge [sflag:s14], $0x6400  }
0x4d: {  	[sflag:s14] =	ssyncset.done $0x0  }
0x4e: {  	[sflag:s14] =	ssyncadd.s32 $0xFFFF9C00  }
0x4f: {  	_ =	swait.ge [sflag:s14], $0x6400  }
0x50: {  	[sflag:s14] =	ssyncset.done $0x0  }
0x51: {  	[sflag:s14] =	ssyncadd.s32 $0xFFFF9C00  }
0x52: {  	[hbm4b:s17+s2] =	stream.linear.scatter [tilespmem:s12], [sflag:$0x2], $0x6400, $0x38;
	[tilespmem:$0xCA00] =	vst v63  }
0x53: {  	s15 =	sadd.s32 $0x1, s15;
	_ =	swait.ge [sflag:s9], $0x6400  }
0x54: {  	p0 =	sne.s32 s15, s4;
	[sflag:s9] =	ssyncset.done $0x0  }
.Ltmp1:
0x55: {  	[sflag:s9] =	ssyncadd.s32 $0xFFFF9C00;
	(pc) =	sbr.rel @p0 .LBB2_1-.Ltmp1, $4  }
0x56: {  	[hbm4b:s16+s2] =	stream.linear.scatter [tilespmem:s13], [sflag:$0x2], $0x6400, $0x38;
	[tilespmem:$0xCA00] =	vst v63  }
0x57: {  	_ =	swait.ge [sflag:s9], $0x6400  }
0x58: {  	[sflag:s9] =	ssyncset.done $0x0  }
0x59: {  	[sflag:s9] =	ssyncadd.s32 $0xFFFF9C00  }
0x5a: {  	_ =	sfence.sel $0x180000  }
0x5b: {  	[bflag:$0x0] =	sbarrier.arrive $0xFFFF  }
0x5c: {  	p0 =	sne.s32 s1, $0x0;
	_ =	strace $0x9000004A  }
0x5d: {  	s0 =	sadd.s32 @!p0 $0x100000, s0;
	[bflag:$0x2] =	sbarrier.arrive $0xFFFF  }
0x5e: {  	[sflag:s0] =	ssyncadd.tile.s32 @!p0 $0x1;
	_ =	shalt  }
.Lfunc_end2:
_tile_overlayer_lowered:
.L_overlay_start_2:
0x5f: {  	(tag) =	ssettag $0x2  }
0x60: {  	s0 =	rddreg [dreg:$0x0];
	s2 =	stileid.u32  }
0x61: {  	s1 =	rddreg [dreg:$0x1];
	p0 =	sne.s32 s2, $0x0  }
0x62: {  	s3 =	rddreg [dreg:$0x2];
	[bflag:$0x3] =	sbarrier.arrive $0xFFFF;
	s2 =	simm.s32 @!p0 $0x1C02  }
0x63: {  	[timem:s3], [sflag:s2] =	dma.local @!p0 [hbm:s0], s1  }
0x64: {  	s0 =	simm.s32 @!p0 $0x2  }
0x65: {  	_ =	swait.ge @!p0 [sflag:s0], s1  }
0x66: {  	s1 =	ssub.s32 @!p0 $0x0, s1;
	[sflag:s0] =	ssyncset.done @!p0 $0x0  }
0x67: {  	[sflag:s0] =	ssyncadd.s32 @!p0 s1  }
0x68: {  	[bflag:$0x3] =	sbarrier.arrive $0xFFFF  }
0x69: {  	_ =	shalt  }

</sc_bundles>
